<compile_context>
chip_gen: v7x
topology: tpu7x:2x2x1
jax: 0.10.2.dev20260603
libtpu: 0.0.44.dev20260713+nightly
codegen_flags: <defaults>
</compile_context>

<pallas_src>
import functools
import jax
import jax.numpy as jnp
from jax import lax
from jax.experimental import pallas as pl
from jax.experimental.pallas import tpu as pltpu
from jax.experimental.pallas import tpu_sc as plsc

NUM_SEQ = 8192
NUM_LABEL = 29
BLANK = 0

NW = 32
RPW = NUM_SEQ // NW
NG = RPW // 16
HALO = 8
H1 = HALO + RPW // 2

_mesh = plsc.VectorSubcoreMesh(core_axis_name="c", subcore_axis_name="s")


@functools.partial(
    pl.kernel,
    out_type=[
        jax.ShapeDtypeStruct((NUM_SEQ,), jnp.int32),
        jax.ShapeDtypeStruct((NUM_SEQ,), jnp.int32),
        jax.ShapeDtypeStruct((NUM_SEQ,), jnp.float32),
    ],
    mesh=_mesh,
    compiler_params=pltpu.CompilerParams(
        needs_layout_passes=False, skip_device_barrier=True
    ),
    scratch_types=[
        pltpu.VMEM((HALO + RPW, NUM_LABEL), jnp.float32),
        pltpu.VMEM((RPW,), jnp.int32),
        pltpu.VMEM((RPW,), jnp.int32),
        pltpu.VMEM((RPW,), jnp.float32),
        pltpu.SemaphoreType.DMA,
        pltpu.SemaphoreType.DMA,
        pltpu.SemaphoreType.DMA,
        pltpu.SemaphoreType.DMA,
        pltpu.SemaphoreType.DMA,
    ],
)
def _sc_ctc(em_hbm, oind_hbm, ovalid_hbm, obest_hbm,
            rows_v, oi_v, ov_v, ob_v, sem0, sem1, sem2, sem3, sem4):
    wid = lax.axis_index("s") * 2 + lax.axis_index("c")
    base = wid * RPW
    off = jnp.maximum(base - HALO, 0)
    mb = base - off
    c0 = pltpu.async_copy(
        em_hbm.at[pl.ds(pl.multiple_of(off, 8), H1)],
        rows_v.at[pl.ds(0, H1)], sem0)
    c1 = pltpu.async_copy(
        em_hbm.at[pl.ds(pl.multiple_of(off + H1, 8), RPW // 2)],
        rows_v.at[pl.ds(H1, RPW // 2)], sem1)

    iota = lax.iota(jnp.int32, 16)

    def chain(rows, j0, j1):
        best = plsc.load_gather(rows_v, [rows, jnp.full((16,), j0, jnp.int32)])
        amax = jnp.full((16,), j0, jnp.int32)
        for j in range(j0 + 1, j1):
            v = plsc.load_gather(rows_v, [rows, jnp.full((16,), j, jnp.int32)])
            gt = v > best
            best = jnp.where(gt, v, best)
            amax = jnp.where(gt, j, amax)
        return best, amax

    def merge(a, b):
        gt = b[0] > a[0]
        return jnp.where(gt, b[0], a[0]), jnp.where(gt, b[1], a[1])

    def row_argmax(rows):
        ab = merge(chain(rows, 0, 8), chain(rows, 8, 16))
        cd = merge(chain(rows, 16, 23), chain(rows, 23, NUM_LABEL))
        return merge(ab, cd)

    def group(g, carry):
        best, amax = row_argmax(mb + g * 16 + iota)
        shifted = amax.at[(iota - 1) & 15].get(mode="promise_in_bounds")
        prev = jnp.where(iota == 0, carry, shifted)
        rowg = base + g * 16 + iota
        change = (amax != prev) | (rowg == 0)
        valid = change & (amax != BLANK)
        oi_v[pl.ds(g * 16, 16)] = jnp.where(valid, amax, -1)
        ov_v[pl.ds(g * 16, 16)] = jnp.where(valid, 1, 0)
        ob_v[pl.ds(g * 16, 16)] = best
        return amax.at[jnp.full((16,), 15, jnp.int32)].get(
            mode="promise_in_bounds")

    c0.wait()
    _, carry = row_argmax(jnp.full((16,), jnp.maximum(mb - 1, 0), jnp.int32))
    carry = lax.fori_loop(0, NG // 2, group, carry)
    c1.wait()
    lax.fori_loop(NG // 2, NG, group, carry)

    hb = pl.ds(pl.multiple_of(base, 8), RPW)
    co = pltpu.async_copy(oi_v, oind_hbm.at[hb], sem2)
    cv = pltpu.async_copy(ov_v, ovalid_hbm.at[hb], sem3)
    cb = pltpu.async_copy(ob_v, obest_hbm.at[hb], sem4)
    co.wait()
    cv.wait()
    cb.wait()


@jax.jit
def kernel(emission):
    oi, ov, ob = _sc_ctc(emission)
    return oi, ov != 0, ob

# --- scband reference (transcript-rebuilt; emitter-appended) ---
"""Pipeline reference for scband-greedy-ctcdecoder-5841155522946 (READ-ONLY COPY).

The authoritative reference and input builder live on the scoring server;
editing this copy changes nothing except your own understanding.
"""

import jax, jax.numpy as jnp
import numpy as np

NUM_SEQ = 8192
NUM_LABEL = 29
BLANK = 0


def setup_inputs(seed: int = 0) -> dict:
    key = jax.random.key(seed)
    emission = jax.random.normal(key, (NUM_SEQ, NUM_LABEL), dtype=jnp.float32)
    return {"emission": emission}


def reference(emission):
    # Greedy CTC best-path decode (numeric form; string join happens on host).
    # indices = argmax over labels
    indices = jnp.argmax(emission, axis=-1)
    # unique_consecutive: keep position i if it differs from position i-1
    change = jnp.concatenate([jnp.ones((1,), dtype=bool), indices[1:] != indices[:-1]])
    # drop blanks
    valid = change & (indices != BLANK)
    # best-path scores (max logit per frame) -- the float payload of the decode
    best_scores = jnp.max(emission, axis=-1)
    # emit deduped, blank-filtered token ids; -1 marks dropped frames
    out_indices = jnp.where(valid, indices, -1)
    return out_indices, valid, best_scores

if __name__ == "__main__":
    import jax
    _d = setup_inputs()
    print(jax.jit(kernel)(*tuple(_d.values())))

</pallas_src>

<mosaic_0001>
#map = affine_map<(d0, d1) -> (0, 0)>
#map1 = affine_map<(d0, d1) -> (0)>
module attributes {stable_mosaic.version = 14 : i64} {
  func.func @_sc_ctc(%arg0: i32, %arg1: i32, %arg2: memref<8192x29xf32, #tpu.memory_space<hbm>>, %arg3: memref<8192xi32, #tpu.memory_space<hbm>>, %arg4: memref<8192xi32, #tpu.memory_space<hbm>>, %arg5: memref<8192xf32, #tpu.memory_space<hbm>>, %arg6: memref<264x29xf32, #tpu.memory_space<vmem>>, %arg7: memref<256xi32, #tpu.memory_space<vmem>>, %arg8: memref<256xi32, #tpu.memory_space<vmem>>, %arg9: memref<256xf32, #tpu.memory_space<vmem>>, %arg10: memref<!tpu.dma_semaphore, #tpu.memory_space<semaphore_mem>>, %arg11: memref<!tpu.dma_semaphore, #tpu.memory_space<semaphore_mem>>, %arg12: memref<!tpu.dma_semaphore, #tpu.memory_space<semaphore_mem>>, %arg13: memref<!tpu.dma_semaphore, #tpu.memory_space<semaphore_mem>>, %arg14: memref<!tpu.dma_semaphore, #tpu.memory_space<semaphore_mem>>) attributes {dimension_semantics = [#tpu.dimension_semantics<core_parallel>, #tpu.dimension_semantics<subcore_parallel>], iteration_bounds = array<i64: 2, 16>, scalar_prefetch = 0 : i64, scratch_operands = 9 : i64, tpu.core_type = #tpu.core_type<sc_vector_subcore>, window_params = [{transform_indices = #map}, {transform_indices = #map1}, {transform_indices = #map1}, {transform_indices = #map1}]} {
    %mul3A = arith.constant 2 : i32
    %mul3A_0 = arith.muli %arg1, %mul3A : i32
    %add3A = arith.addi %mul3A_0, %arg0 : i32
    %mul3A_1 = arith.constant 256 : i32
    %mul3A_2 = arith.muli %add3A, %mul3A_1 : i32
    %sub3A = arith.constant 8 : i32
    %sub3A_3 = arith.subi %mul3A_2, %sub3A : i32
    %max3A = arith.constant 0 : i32
    %max3A_4 = arith.maxsi %sub3A_3, %max3A : i32
    %sub3A_5 = arith.subi %mul3A_2, %max3A_4 : i32
    %multiple_of3A = tpu.assume_multiple %max3A_4, 8 : i32
    %dma_start3A = arith.constant 0 : i32
    %dma_start3A_6 = arith.constant 0 : i32
    %dma_start3A_7 = tpu.memref_slice %arg6[%dma_start3A, %dma_start3A_6] : memref<264x29xf32, #tpu.memory_space<vmem>> -> memref<136x29xf32, #tpu.memory_space<vmem>>
    %dma_start3A_8 = arith.constant 0 : i32
    %dma_start3A_9 = tpu.memref_slice %arg2[%multiple_of3A, %dma_start3A_8] : memref<8192x29xf32, #tpu.memory_space<hbm>> -> memref<136x29xf32, #tpu.memory_space<hbm>>
    %dma_start3A_10 = arith.constant 0 : i32
    %dma_start3A_11 = arith.constant 0 : i32
    %dma_start3A_12 = tpu.memref_slice %arg6[%dma_start3A_10, %dma_start3A_11] : memref<264x29xf32, #tpu.memory_space<vmem>> -> memref<136x29xf32, #tpu.memory_space<vmem>>
    %dma_start3A_13 = arith.constant 0 : i32
    %dma_start3A_14 = tpu.memref_slice %arg2[%multiple_of3A, %dma_start3A_13] : memref<8192x29xf32, #tpu.memory_space<hbm>> -> memref<136x29xf32, #tpu.memory_space<hbm>>
    tpu.enqueue_dma source(%dma_start3A_14 : memref<136x29xf32, #tpu.memory_space<hbm>>) target(%dma_start3A_12 : memref<136x29xf32, #tpu.memory_space<vmem>>) target_semaphore(%arg10 : memref<!tpu.dma_semaphore, #tpu.memory_space<semaphore_mem>>)
    %add3A_15 = arith.constant 136 : i32
    %add3A_16 = arith.addi %max3A_4, %add3A_15 : i32
    %multiple_of3A_17 = tpu.assume_multiple %add3A_16, 8 : i32
    %dma_start3A_18 = arith.constant 136 : i32
    %dma_start3A_19 = arith.constant 0 : i32
    %dma_start3A_20 = tpu.memref_slice %arg6[%dma_start3A_18, %dma_start3A_19] : memref<264x29xf32, #tpu.memory_space<vmem>> -> memref<128x29xf32, #tpu.memory_space<vmem>>
    %dma_start3A_21 = arith.constant 0 : i32
    %dma_start3A_22 = tpu.memref_slice %arg2[%multiple_of3A_17, %dma_start3A_21] : memref<8192x29xf32, #tpu.memory_space<hbm>> -> memref<128x29xf32, #tpu.memory_space<hbm>>
    %dma_start3A_23 = arith.constant 136 : i32
    %dma_start3A_24 = arith.constant 0 : i32
    %dma_start3A_25 = tpu.memref_slice %arg6[%dma_start3A_23, %dma_start3A_24] : memref<264x29xf32, #tpu.memory_space<vmem>> -> memref<128x29xf32, #tpu.memory_space<vmem>>
    %dma_start3A_26 = arith.constant 0 : i32
    %dma_start3A_27 = tpu.memref_slice %arg2[%multiple_of3A_17, %dma_start3A_26] : memref<8192x29xf32, #tpu.memory_space<hbm>> -> memref<128x29xf32, #tpu.memory_space<hbm>>
    tpu.enqueue_dma source(%dma_start3A_27 : memref<128x29xf32, #tpu.memory_space<hbm>>) target(%dma_start3A_25 : memref<128x29xf32, #tpu.memory_space<vmem>>) target_semaphore(%arg11 : memref<!tpu.dma_semaphore, #tpu.memory_space<semaphore_mem>>)
    %iota3A = tpu.iota {dimensions = array<i32: 0>} : vector<16xi32>
    %dma_wait3A = arith.constant 0 : i32
    %dma_wait3A_28 = arith.constant 0 : i32
    %dma_wait3A_29 = tpu.memref_slice %arg6[%dma_wait3A, %dma_wait3A_28] : memref<264x29xf32, #tpu.memory_space<vmem>> -> memref<136x29xf32, #tpu.memory_space<vmem>>
    %dma_wait3A_30 = arith.constant 0 : i32
    %dma_wait3A_31 = tpu.memref_slice %arg2[%multiple_of3A, %dma_wait3A_30] : memref<8192x29xf32, #tpu.memory_space<hbm>> -> memref<136x29xf32, #tpu.memory_space<hbm>>
    %dma_wait3A_32 = arith.constant 0 : i32
    %dma_wait3A_33 = arith.constant 0 : i32
    %dma_wait3A_34 = tpu.memref_slice %arg6[%dma_wait3A_32, %dma_wait3A_33] : memref<264x29xf32, #tpu.memory_space<vmem>> -> memref<136x29xf32, #tpu.memory_space<vmem>>
    %dma_wait3A_35 = arith.constant 0 : i32
    %dma_wait3A_36 = tpu.memref_slice %arg2[%multiple_of3A, %dma_wait3A_35] : memref<8192x29xf32, #tpu.memory_space<hbm>> -> memref<136x29xf32, #tpu.memory_space<hbm>>
    tpu.wait_dma2 semaphore(%arg10 : memref<!tpu.dma_semaphore, #tpu.memory_space<semaphore_mem>>) src(%dma_wait3A_36 : memref<136x29xf32, #tpu.memory_space<hbm>>) dst(%dma_wait3A_34 : memref<136x29xf32, #tpu.memory_space<vmem>>)
    %sub3A_37 = arith.constant 1 : i32
    %sub3A_38 = arith.subi %sub3A_5, %sub3A_37 : i32
    %max3A_39 = arith.constant 0 : i32
    %max3A_40 = arith.maxsi %sub3A_38, %max3A_39 : i32
    %broadcast_in_dim3A = vector.broadcast %max3A_40 : i32 to vector<16xi32>
    %broadcast_in_dim3A_41 = arith.constant 0 : i32
    %broadcast_in_dim3A_42 = vector.broadcast %broadcast_in_dim3A_41 : i32 to vector<16xi32>
    %gather3A = tpu.vector_load_idx %arg6[%broadcast_in_dim3A, %broadcast_in_dim3A_42] : memref<264x29xf32, #tpu.memory_space<vmem>>[vector<16xi32>, vector<16xi32>], vector<16xf32>,
    %broadcast_in_dim3A_43 = arith.constant 0 : i32
    %broadcast_in_dim3A_44 = vector.broadcast %broadcast_in_dim3A_43 : i32 to vector<16xi32>
    %broadcast_in_dim3A_45 = arith.constant 1 : i32
    %broadcast_in_dim3A_46 = vector.broadcast %broadcast_in_dim3A_45 : i32 to vector<16xi32>
    %gather3A_47 = tpu.vector_load_idx %arg6[%broadcast_in_dim3A, %broadcast_in_dim3A_46] : memref<264x29xf32, #tpu.memory_space<vmem>>[vector<16xi32>, vector<16xi32>], vector<16xf32>,
    %gt3A = arith.cmpf ogt, %gather3A_47, %gather3A : vector<16xf32>
    %select_n3A = arith.select %gt3A, %gather3A_47, %gather3A : vector<16xi1>, vector<16xf32>
    %jit3A = arith.constant 1 : i32
    %broadcast_in_dim3A_48 = vector.broadcast %jit3A : i32 to vector<16xi32>
    %select_n3A_49 = arith.select %gt3A, %broadcast_in_dim3A_48, %broadcast_in_dim3A_44 : vector<16xi1>, vector<16xi32>
    %broadcast_in_dim3A_50 = arith.constant 2 : i32
    %broadcast_in_dim3A_51 = vector.broadcast %broadcast_in_dim3A_50 : i32 to vector<16xi32>
    %gather3A_52 = tpu.vector_load_idx %arg6[%broadcast_in_dim3A, %broadcast_in_dim3A_51] : memref<264x29xf32, #tpu.memory_space<vmem>>[vector<16xi32>, vector<16xi32>], vector<16xf32>,
    %gt3A_53 = arith.cmpf ogt, %gather3A_52, %select_n3A : vector<16xf32>
    %select_n3A_54 = arith.select %gt3A_53, %gather3A_52, %select_n3A : vector<16xi1>, vector<16xf32>
    %jit3A_55 = arith.constant 2 : i32
    %broadcast_in_dim3A_56 = vector.broadcast %jit3A_55 : i32 to vector<16xi32>
    %select_n3A_57 = arith.select %gt3A_53, %broadcast_in_dim3A_56, %select_n3A_49 : vector<16xi1>, vector<16xi32>
    %broadcast_in_dim3A_58 = arith.constant 3 : i32
    %broadcast_in_dim3A_59 = vector.broadcast %broadcast_in_dim3A_58 : i32 to vector<16xi32>
    %gather3A_60 = tpu.vector_load_idx %arg6[%broadcast_in_dim3A, %broadcast_in_dim3A_59] : memref<264x29xf32, #tpu.memory_space<vmem>>[vector<16xi32>, vector<16xi32>], vector<16xf32>,
    %gt3A_61 = arith.cmpf ogt, %gather3A_60, %select_n3A_54 : vector<16xf32>
    %select_n3A_62 = arith.select %gt3A_61, %gather3A_60, %select_n3A_54 : vector<16xi1>, vector<16xf32>
    %jit3A_63 = arith.constant 3 : i32
    %broadcast_in_dim3A_64 = vector.broadcast %jit3A_63 : i32 to vector<16xi32>
    %select_n3A_65 = arith.select %gt3A_61, %broadcast_in_dim3A_64, %select_n3A_57 : vector<16xi1>, vector<16xi32>
    %broadcast_in_dim3A_66 = arith.constant 4 : i32
    %broadcast_in_dim3A_67 = vector.broadcast %broadcast_in_dim3A_66 : i32 to vector<16xi32>
    %gather3A_68 = tpu.vector_load_idx %arg6[%broadcast_in_dim3A, %broadcast_in_dim3A_67] : memref<264x29xf32, #tpu.memory_space<vmem>>[vector<16xi32>, vector<16xi32>], vector<16xf32>,
    %gt3A_69 = arith.cmpf ogt, %gather3A_68, %select_n3A_62 : vector<16xf32>
    %select_n3A_70 = arith.select %gt3A_69, %gather3A_68, %select_n3A_62 : vector<16xi1>, vector<16xf32>
    %jit3A_71 = arith.constant 4 : i32
    %broadcast_in_dim3A_72 = vector.broadcast %jit3A_71 : i32 to vector<16xi32>
    %select_n3A_73 = arith.select %gt3A_69, %broadcast_in_dim3A_72, %select_n3A_65 : vector<16xi1>, vector<16xi32>
    %broadcast_in_dim3A_74 = arith.constant 5 : i32
    %broadcast_in_dim3A_75 = vector.broadcast %broadcast_in_dim3A_74 : i32 to vector<16xi32>
    %gather3A_76 = tpu.vector_load_idx %arg6[%broadcast_in_dim3A, %broadcast_in_dim3A_75] : memref<264x29xf32, #tpu.memory_space<vmem>>[vector<16xi32>, vector<16xi32>], vector<16xf32>,
    %gt3A_77 = arith.cmpf ogt, %gather3A_76, %select_n3A_70 : vector<16xf32>
    %select_n3A_78 = arith.select %gt3A_77, %gather3A_76, %select_n3A_70 : vector<16xi1>, vector<16xf32>
    %jit3A_79 = arith.constant 5 : i32
    %broadcast_in_dim3A_80 = vector.broadcast %jit3A_79 : i32 to vector<16xi32>
    %select_n3A_81 = arith.select %gt3A_77, %broadcast_in_dim3A_80, %select_n3A_73 : vector<16xi1>, vector<16xi32>
    %broadcast_in_dim3A_82 = arith.constant 6 : i32
    %broadcast_in_dim3A_83 = vector.broadcast %broadcast_in_dim3A_82 : i32 to vector<16xi32>
    %gather3A_84 = tpu.vector_load_idx %arg6[%broadcast_in_dim3A, %broadcast_in_dim3A_83] : memref<264x29xf32, #tpu.memory_space<vmem>>[vector<16xi32>, vector<16xi32>], vector<16xf32>,
    %gt3A_85 = arith.cmpf ogt, %gather3A_84, %select_n3A_78 : vector<16xf32>
    %select_n3A_86 = arith.select %gt3A_85, %gather3A_84, %select_n3A_78 : vector<16xi1>, vector<16xf32>
    %jit3A_87 = arith.constant 6 : i32
    %broadcast_in_dim3A_88 = vector.broadcast %jit3A_87 : i32 to vector<16xi32>
    %select_n3A_89 = arith.select %gt3A_85, %broadcast_in_dim3A_88, %select_n3A_81 : vector<16xi1>, vector<16xi32>
    %broadcast_in_dim3A_90 = arith.constant 7 : i32
    %broadcast_in_dim3A_91 = vector.broadcast %broadcast_in_dim3A_90 : i32 to vector<16xi32>
    %gather3A_92 = tpu.vector_load_idx %arg6[%broadcast_in_dim3A, %broadcast_in_dim3A_91] : memref<264x29xf32, #tpu.memory_space<vmem>>[vector<16xi32>, vector<16xi32>], vector<16xf32>,
    %gt3A_93 = arith.cmpf ogt, %gather3A_92, %select_n3A_86 : vector<16xf32>
    %select_n3A_94 = arith.select %gt3A_93, %gather3A_92, %select_n3A_86 : vector<16xi1>, vector<16xf32>
    %jit3A_95 = arith.constant 7 : i32
    %broadcast_in_dim3A_96 = vector.broadcast %jit3A_95 : i32 to vector<16xi32>
    %select_n3A_97 = arith.select %gt3A_93, %broadcast_in_dim3A_96, %select_n3A_89 : vector<16xi1>, vector<16xi32>
    %broadcast_in_dim3A_98 = arith.constant 8 : i32
    %broadcast_in_dim3A_99 = vector.broadcast %broadcast_in_dim3A_98 : i32 to vector<16xi32>
    %gather3A_100 = tpu.vector_load_idx %arg6[%broadcast_in_dim3A, %broadcast_in_dim3A_99] : memref<264x29xf32, #tpu.memory_space<vmem>>[vector<16xi32>, vector<16xi32>], vector<16xf32>,
    %broadcast_in_dim3A_101 = arith.constant 8 : i32
    %broadcast_in_dim3A_102 = vector.broadcast %broadcast_in_dim3A_101 : i32 to vector<16xi32>
    %broadcast_in_dim3A_103 = arith.constant 9 : i32
    %broadcast_in_dim3A_104 = vector.broadcast %broadcast_in_dim3A_103 : i32 to vector<16xi32>
    %gather3A_105 = tpu.vector_load_idx %arg6[%broadcast_in_dim3A, %broadcast_in_dim3A_104] : memref<264x29xf32, #tpu.memory_space<vmem>>[vector<16xi32>, vector<16xi32>], vector<16xf32>,
    %gt3A_106 = arith.cmpf ogt, %gather3A_105, %gather3A_100 : vector<16xf32>
    %select_n3A_107 = arith.select %gt3A_106, %gather3A_105, %gather3A_100 : vector<16xi1>, vector<16xf32>
    %jit3A_108 = arith.constant 9 : i32
    %broadcast_in_dim3A_109 = vector.broadcast %jit3A_108 : i32 to vector<16xi32>
    %select_n3A_110 = arith.select %gt3A_106, %broadcast_in_dim3A_109, %broadcast_in_dim3A_102 : vector<16xi1>, vector<16xi32>
    %broadcast_in_dim3A_111 = arith.constant 10 : i32
    %broadcast_in_dim3A_112 = vector.broadcast %broadcast_in_dim3A_111 : i32 to vector<16xi32>
    %gather3A_113 = tpu.vector_load_idx %arg6[%broadcast_in_dim3A, %broadcast_in_dim3A_112] : memref<264x29xf32, #tpu.memory_space<vmem>>[vector<16xi32>, vector<16xi32>], vector<16xf32>,
    %gt3A_114 = arith.cmpf ogt, %gather3A_113, %select_n3A_107 : vector<16xf32>
    %select_n3A_115 = arith.select %gt3A_114, %gather3A_113, %select_n3A_107 : vector<16xi1>, vector<16xf32>
    %jit3A_116 = arith.constant 10 : i32
    %broadcast_in_dim3A_117 = vector.broadcast %jit3A_116 : i32 to vector<16xi32>
    %select_n3A_118 = arith.select %gt3A_114, %broadcast_in_dim3A_117, %select_n3A_110 : vector<16xi1>, vector<16xi32>
    %broadcast_in_dim3A_119 = arith.constant 11 : i32
    %broadcast_in_dim3A_120 = vector.broadcast %broadcast_in_dim3A_119 : i32 to vector<16xi32>
    %gather3A_121 = tpu.vector_load_idx %arg6[%broadcast_in_dim3A, %broadcast_in_dim3A_120] : memref<264x29xf32, #tpu.memory_space<vmem>>[vector<16xi32>, vector<16xi32>], vector<16xf32>,
    %gt3A_122 = arith.cmpf ogt, %gather3A_121, %select_n3A_115 : vector<16xf32>
    %select_n3A_123 = arith.select %gt3A_122, %gather3A_121, %select_n3A_115 : vector<16xi1>, vector<16xf32>
    %jit3A_124 = arith.constant 11 : i32
    %broadcast_in_dim3A_125 = vector.broadcast %jit3A_124 : i32 to vector<16xi32>
    %select_n3A_126 = arith.select %gt3A_122, %broadcast_in_dim3A_125, %select_n3A_118 : vector<16xi1>, vector<16xi32>
    %broadcast_in_dim3A_127 = arith.constant 12 : i32
    %broadcast_in_dim3A_128 = vector.broadcast %broadcast_in_dim3A_127 : i32 to vector<16xi32>
    %gather3A_129 = tpu.vector_load_idx %arg6[%broadcast_in_dim3A, %broadcast_in_dim3A_128] : memref<264x29xf32, #tpu.memory_space<vmem>>[vector<16xi32>, vector<16xi32>], vector<16xf32>,
    %gt3A_130 = arith.cmpf ogt, %gather3A_129, %select_n3A_123 : vector<16xf32>
    %select_n3A_131 = arith.select %gt3A_130, %gather3A_129, %select_n3A_123 : vector<16xi1>, vector<16xf32>
    %jit3A_132 = arith.constant 12 : i32
    %broadcast_in_dim3A_133 = vector.broadcast %jit3A_132 : i32 to vector<16xi32>
    %select_n3A_134 = arith.select %gt3A_130, %broadcast_in_dim3A_133, %select_n3A_126 : vector<16xi1>, vector<16xi32>
    %broadcast_in_dim3A_135 = arith.constant 13 : i32
    %broadcast_in_dim3A_136 = vector.broadcast %broadcast_in_dim3A_135 : i32 to vector<16xi32>
    %gather3A_137 = tpu.vector_load_idx %arg6[%broadcast_in_dim3A, %broadcast_in_dim3A_136] : memref<264x29xf32, #tpu.memory_space<vmem>>[vector<16xi32>, vector<16xi32>], vector<16xf32>,
    %gt3A_138 = arith.cmpf ogt, %gather3A_137, %select_n3A_131 : vector<16xf32>
    %select_n3A_139 = arith.select %gt3A_138, %gather3A_137, %select_n3A_131 : vector<16xi1>, vector<16xf32>
    %jit3A_140 = arith.constant 13 : i32
    %broadcast_in_dim3A_141 = vector.broadcast %jit3A_140 : i32 to vector<16xi32>
    %select_n3A_142 = arith.select %gt3A_138, %broadcast_in_dim3A_141, %select_n3A_134 : vector<16xi1>, vector<16xi32>
    %broadcast_in_dim3A_143 = arith.constant 14 : i32
    %broadcast_in_dim3A_144 = vector.broadcast %broadcast_in_dim3A_143 : i32 to vector<16xi32>
    %gather3A_145 = tpu.vector_load_idx %arg6[%broadcast_in_dim3A, %broadcast_in_dim3A_144] : memref<264x29xf32, #tpu.memory_space<vmem>>[vector<16xi32>, vector<16xi32>], vector<16xf32>,
    %gt3A_146 = arith.cmpf ogt, %gather3A_145, %select_n3A_139 : vector<16xf32>
    %select_n3A_147 = arith.select %gt3A_146, %gather3A_145, %select_n3A_139 : vector<16xi1>, vector<16xf32>
    %jit3A_148 = arith.constant 14 : i32
    %broadcast_in_dim3A_149 = vector.broadcast %jit3A_148 : i32 to vector<16xi32>
    %select_n3A_150 = arith.select %gt3A_146, %broadcast_in_dim3A_149, %select_n3A_142 : vector<16xi1>, vector<16xi32>
    %broadcast_in_dim3A_151 = arith.constant 15 : i32
    %broadcast_in_dim3A_152 = vector.broadcast %broadcast_in_dim3A_151 : i32 to vector<16xi32>
    %gather3A_153 = tpu.vector_load_idx %arg6[%broadcast_in_dim3A, %broadcast_in_dim3A_152] : memref<264x29xf32, #tpu.memory_space<vmem>>[vector<16xi32>, vector<16xi32>], vector<16xf32>,
    %gt3A_154 = arith.cmpf ogt, %gather3A_153, %select_n3A_147 : vector<16xf32>
    %select_n3A_155 = arith.select %gt3A_154, %gather3A_153, %select_n3A_147 : vector<16xi1>, vector<16xf32>
    %jit3A_156 = arith.constant 15 : i32
    %broadcast_in_dim3A_157 = vector.broadcast %jit3A_156 : i32 to vector<16xi32>
    %select_n3A_158 = arith.select %gt3A_154, %broadcast_in_dim3A_157, %select_n3A_150 : vector<16xi1>, vector<16xi32>
    %gt3A_159 = arith.cmpf ogt, %select_n3A_155, %select_n3A_94 : vector<16xf32>
    %select_n3A_160 = arith.select %gt3A_159, %select_n3A_155, %select_n3A_94 : vector<16xi1>, vector<16xf32>
    %select_n3A_161 = arith.select %gt3A_159, %select_n3A_158, %select_n3A_97 : vector<16xi1>, vector<16xi32>
    %broadcast_in_dim3A_162 = arith.constant 16 : i32
    %broadcast_in_dim3A_163 = vector.broadcast %broadcast_in_dim3A_162 : i32 to vector<16xi32>
    %gather3A_164 = tpu.vector_load_idx %arg6[%broadcast_in_dim3A, %broadcast_in_dim3A_163] : memref<264x29xf32, #tpu.memory_space<vmem>>[vector<16xi32>, vector<16xi32>], vector<16xf32>,
    %broadcast_in_dim3A_165 = arith.constant 16 : i32
    %broadcast_in_dim3A_166 = vector.broadcast %broadcast_in_dim3A_165 : i32 to vector<16xi32>
    %broadcast_in_dim3A_167 = arith.constant 17 : i32
    %broadcast_in_dim3A_168 = vector.broadcast %broadcast_in_dim3A_167 : i32 to vector<16xi32>
    %gather3A_169 = tpu.vector_load_idx %arg6[%broadcast_in_dim3A, %broadcast_in_dim3A_168] : memref<264x29xf32, #tpu.memory_space<vmem>>[vector<16xi32>, vector<16xi32>], vector<16xf32>,
    %gt3A_170 = arith.cmpf ogt, %gather3A_169, %gather3A_164 : vector<16xf32>
    %select_n3A_171 = arith.select %gt3A_170, %gather3A_169, %gather3A_164 : vector<16xi1>, vector<16xf32>
    %jit3A_172 = arith.constant 17 : i32
    %broadcast_in_dim3A_173 = vector.broadcast %jit3A_172 : i32 to vector<16xi32>
    %select_n3A_174 = arith.select %gt3A_170, %broadcast_in_dim3A_173, %broadcast_in_dim3A_166 : vector<16xi1>, vector<16xi32>
    %broadcast_in_dim3A_175 = arith.constant 18 : i32
    %broadcast_in_dim3A_176 = vector.broadcast %broadcast_in_dim3A_175 : i32 to vector<16xi32>
    %gather3A_177 = tpu.vector_load_idx %arg6[%broadcast_in_dim3A, %broadcast_in_dim3A_176] : memref<264x29xf32, #tpu.memory_space<vmem>>[vector<16xi32>, vector<16xi32>], vector<16xf32>,
    %gt3A_178 = arith.cmpf ogt, %gather3A_177, %select_n3A_171 : vector<16xf32>
    %select_n3A_179 = arith.select %gt3A_178, %gather3A_177, %select_n3A_171 : vector<16xi1>, vector<16xf32>
    %jit3A_180 = arith.constant 18 : i32
    %broadcast_in_dim3A_181 = vector.broadcast %jit3A_180 : i32 to vector<16xi32>
    %select_n3A_182 = arith.select %gt3A_178, %broadcast_in_dim3A_181, %select_n3A_174 : vector<16xi1>, vector<16xi32>
    %broadcast_in_dim3A_183 = arith.constant 19 : i32
    %broadcast_in_dim3A_184 = vector.broadcast %broadcast_in_dim3A_183 : i32 to vector<16xi32>
    %gather3A_185 = tpu.vector_load_idx %arg6[%broadcast_in_dim3A, %broadcast_in_dim3A_184] : memref<264x29xf32, #tpu.memory_space<vmem>>[vector<16xi32>, vector<16xi32>], vector<16xf32>,
    %gt3A_186 = arith.cmpf ogt, %gather3A_185, %select_n3A_179 : vector<16xf32>
    %select_n3A_187 = arith.select %gt3A_186, %gather3A_185, %select_n3A_179 : vector<16xi1>, vector<16xf32>
    %jit3A_188 = arith.constant 19 : i32
    %broadcast_in_dim3A_189 = vector.broadcast %jit3A_188 : i32 to vector<16xi32>
    %select_n3A_190 = arith.select %gt3A_186, %broadcast_in_dim3A_189, %select_n3A_182 : vector<16xi1>, vector<16xi32>
    %broadcast_in_dim3A_191 = arith.constant 20 : i32
    %broadcast_in_dim3A_192 = vector.broadcast %broadcast_in_dim3A_191 : i32 to vector<16xi32>
    %gather3A_193 = tpu.vector_load_idx %arg6[%broadcast_in_dim3A, %broadcast_in_dim3A_192] : memref<264x29xf32, #tpu.memory_space<vmem>>[vector<16xi32>, vector<16xi32>], vector<16xf32>,
    %gt3A_194 = arith.cmpf ogt, %gather3A_193, %select_n3A_187 : vector<16xf32>
    %select_n3A_195 = arith.select %gt3A_194, %gather3A_193, %select_n3A_187 : vector<16xi1>, vector<16xf32>
    %jit3A_196 = arith.constant 20 : i32
    %broadcast_in_dim3A_197 = vector.broadcast %jit3A_196 : i32 to vector<16xi32>
    %select_n3A_198 = arith.select %gt3A_194, %broadcast_in_dim3A_197, %select_n3A_190 : vector<16xi1>, vector<16xi32>
    %broadcast_in_dim3A_199 = arith.constant 21 : i32
    %broadcast_in_dim3A_200 = vector.broadcast %broadcast_in_dim3A_199 : i32 to vector<16xi32>
    %gather3A_201 = tpu.vector_load_idx %arg6[%broadcast_in_dim3A, %broadcast_in_dim3A_200] : memref<264x29xf32, #tpu.memory_space<vmem>>[vector<16xi32>, vector<16xi32>], vector<16xf32>,
    %gt3A_202 = arith.cmpf ogt, %gather3A_201, %select_n3A_195 : vector<16xf32>
    %select_n3A_203 = arith.select %gt3A_202, %gather3A_201, %select_n3A_195 : vector<16xi1>, vector<16xf32>
    %jit3A_204 = arith.constant 21 : i32
    %broadcast_in_dim3A_205 = vector.broadcast %jit3A_204 : i32 to vector<16xi32>
    %select_n3A_206 = arith.select %gt3A_202, %broadcast_in_dim3A_205, %select_n3A_198 : vector<16xi1>, vector<16xi32>
    %broadcast_in_dim3A_207 = arith.constant 22 : i32
    %broadcast_in_dim3A_208 = vector.broadcast %broadcast_in_dim3A_207 : i32 to vector<16xi32>
    %gather3A_209 = tpu.vector_load_idx %arg6[%broadcast_in_dim3A, %broadcast_in_dim3A_208] : memref<264x29xf32, #tpu.memory_space<vmem>>[vector<16xi32>, vector<16xi32>], vector<16xf32>,
    %gt3A_210 = arith.cmpf ogt, %gather3A_209, %select_n3A_203 : vector<16xf32>
    %select_n3A_211 = arith.select %gt3A_210, %gather3A_209, %select_n3A_203 : vector<16xi1>, vector<16xf32>
    %jit3A_212 = arith.constant 22 : i32
    %broadcast_in_dim3A_213 = vector.broadcast %jit3A_212 : i32 to vector<16xi32>
    %select_n3A_214 = arith.select %gt3A_210, %broadcast_in_dim3A_213, %select_n3A_206 : vector<16xi1>, vector<16xi32>
    %broadcast_in_dim3A_215 = arith.constant 23 : i32
    %broadcast_in_dim3A_216 = vector.broadcast %broadcast_in_dim3A_215 : i32 to vector<16xi32>
    %gather3A_217 = tpu.vector_load_idx %arg6[%broadcast_in_dim3A, %broadcast_in_dim3A_216] : memref<264x29xf32, #tpu.memory_space<vmem>>[vector<16xi32>, vector<16xi32>], vector<16xf32>,
    %broadcast_in_dim3A_218 = arith.constant 23 : i32
    %broadcast_in_dim3A_219 = vector.broadcast %broadcast_in_dim3A_218 : i32 to vector<16xi32>
    %broadcast_in_dim3A_220 = arith.constant 24 : i32
    %broadcast_in_dim3A_221 = vector.broadcast %broadcast_in_dim3A_220 : i32 to vector<16xi32>
    %gather3A_222 = tpu.vector_load_idx %arg6[%broadcast_in_dim3A, %broadcast_in_dim3A_221] : memref<264x29xf32, #tpu.memory_space<vmem>>[vector<16xi32>, vector<16xi32>], vector<16xf32>,
    %gt3A_223 = arith.cmpf ogt, %gather3A_222, %gather3A_217 : vector<16xf32>
    %select_n3A_224 = arith.select %gt3A_223, %gather3A_222, %gather3A_217 : vector<16xi1>, vector<16xf32>
    %jit3A_225 = arith.constant 24 : i32
    %broadcast_in_dim3A_226 = vector.broadcast %jit3A_225 : i32 to vector<16xi32>
    %select_n3A_227 = arith.select %gt3A_223, %broadcast_in_dim3A_226, %broadcast_in_dim3A_219 : vector<16xi1>, vector<16xi32>
    %broadcast_in_dim3A_228 = arith.constant 25 : i32
    %broadcast_in_dim3A_229 = vector.broadcast %broadcast_in_dim3A_228 : i32 to vector<16xi32>
    %gather3A_230 = tpu.vector_load_idx %arg6[%broadcast_in_dim3A, %broadcast_in_dim3A_229] : memref<264x29xf32, #tpu.memory_space<vmem>>[vector<16xi32>, vector<16xi32>], vector<16xf32>,
    %gt3A_231 = arith.cmpf ogt, %gather3A_230, %select_n3A_224 : vector<16xf32>
    %select_n3A_232 = arith.select %gt3A_231, %gather3A_230, %select_n3A_224 : vector<16xi1>, vector<16xf32>
    %jit3A_233 = arith.constant 25 : i32
    %broadcast_in_dim3A_234 = vector.broadcast %jit3A_233 : i32 to vector<16xi32>
    %select_n3A_235 = arith.select %gt3A_231, %broadcast_in_dim3A_234, %select_n3A_227 : vector<16xi1>, vector<16xi32>
    %broadcast_in_dim3A_236 = arith.constant 26 : i32
    %broadcast_in_dim3A_237 = vector.broadcast %broadcast_in_dim3A_236 : i32 to vector<16xi32>
    %gather3A_238 = tpu.vector_load_idx %arg6[%broadcast_in_dim3A, %broadcast_in_dim3A_237] : memref<264x29xf32, #tpu.memory_space<vmem>>[vector<16xi32>, vector<16xi32>], vector<16xf32>,
    %gt3A_239 = arith.cmpf ogt, %gather3A_238, %select_n3A_232 : vector<16xf32>
    %select_n3A_240 = arith.select %gt3A_239, %gather3A_238, %select_n3A_232 : vector<16xi1>, vector<16xf32>
    %jit3A_241 = arith.constant 26 : i32
    %broadcast_in_dim3A_242 = vector.broadcast %jit3A_241 : i32 to vector<16xi32>
    %select_n3A_243 = arith.select %gt3A_239, %broadcast_in_dim3A_242, %select_n3A_235 : vector<16xi1>, vector<16xi32>
    %broadcast_in_dim3A_244 = arith.constant 27 : i32
    %broadcast_in_dim3A_245 = vector.broadcast %broadcast_in_dim3A_244 : i32 to vector<16xi32>
    %gather3A_246 = tpu.vector_load_idx %arg6[%broadcast_in_dim3A, %broadcast_in_dim3A_245] : memref<264x29xf32, #tpu.memory_space<vmem>>[vector<16xi32>, vector<16xi32>], vector<16xf32>,
    %gt3A_247 = arith.cmpf ogt, %gather3A_246, %select_n3A_240 : vector<16xf32>
    %select_n3A_248 = arith.select %gt3A_247, %gather3A_246, %select_n3A_240 : vector<16xi1>, vector<16xf32>
    %jit3A_249 = arith.constant 27 : i32
    %broadcast_in_dim3A_250 = vector.broadcast %jit3A_249 : i32 to vector<16xi32>
    %select_n3A_251 = arith.select %gt3A_247, %broadcast_in_dim3A_250, %select_n3A_243 : vector<16xi1>, vector<16xi32>
    %broadcast_in_dim3A_252 = arith.constant 28 : i32
    %broadcast_in_dim3A_253 = vector.broadcast %broadcast_in_dim3A_252 : i32 to vector<16xi32>
    %gather3A_254 = tpu.vector_load_idx %arg6[%broadcast_in_dim3A, %broadcast_in_dim3A_253] : memref<264x29xf32, #tpu.memory_space<vmem>>[vector<16xi32>, vector<16xi32>], vector<16xf32>,
    %gt3A_255 = arith.cmpf ogt, %gather3A_254, %select_n3A_248 : vector<16xf32>
    %select_n3A_256 = arith.select %gt3A_255, %gather3A_254, %select_n3A_248 : vector<16xi1>, vector<16xf32>
    %jit3A_257 = arith.constant 28 : i32
    %broadcast_in_dim3A_258 = vector.broadcast %jit3A_257 : i32 to vector<16xi32>
    %select_n3A_259 = arith.select %gt3A_255, %broadcast_in_dim3A_258, %select_n3A_251 : vector<16xi1>, vector<16xi32>
    %gt3A_260 = arith.cmpf ogt, %select_n3A_256, %select_n3A_211 : vector<16xf32>
    %select_n3A_261 = arith.select %gt3A_260, %select_n3A_256, %select_n3A_211 : vector<16xi1>, vector<16xf32>
    %select_n3A_262 = arith.select %gt3A_260, %select_n3A_259, %select_n3A_214 : vector<16xi1>, vector<16xi32>
    %gt3A_263 = arith.cmpf ogt, %select_n3A_261, %select_n3A_160 : vector<16xf32>
    %select_n3A_264 = arith.select %gt3A_263, %select_n3A_261, %select_n3A_160 : vector<16xi1>, vector<16xf32>
    %select_n3A_265 = arith.select %gt3A_263, %select_n3A_262, %select_n3A_161 : vector<16xi1>, vector<16xi32>
    %scan3A = arith.constant 0 : i32
    %scan3A_266 = arith.constant 8 : i32
    %scan3A_267 = arith.addi %scan3A, %scan3A_266 : i32
    %scan3A_268 = arith.constant 1 : i32
    %scan3A_269 = scf.for %scan3A_300 = %scan3A to %scan3A_267 step %scan3A_268 iter_args(%scan3A_301 = %select_n3A_265) -> (vector<16xi32>)  : i32 {
      %mul3A_302 = arith.constant 16 : i32
      %mul3A_303 = arith.muli %scan3A_300, %mul3A_302 : i32
      %add3A_304 = arith.addi %sub3A_5, %mul3A_303 : i32
      %add3A_305 = vector.broadcast %add3A_304 : i32 to vector<16xi32>
      %add3A_306 = arith.addi %add3A_305, %iota3A : vector<16xi32>
      %broadcast_in_dim3A_307 = arith.constant 0 : i32
      %broadcast_in_dim3A_308 = vector.broadcast %broadcast_in_dim3A_307 : i32 to vector<16xi32>
      %gather3A_309 = tpu.vector_load_idx %arg6[%add3A_306, %broadcast_in_dim3A_308] : memref<264x29xf32, #tpu.memory_space<vmem>>[vector<16xi32>, vector<16xi32>], vector<16xf32>,
      %broadcast_in_dim3A_310 = arith.constant 0 : i32
      %broadcast_in_dim3A_311 = vector.broadcast %broadcast_in_dim3A_310 : i32 to vector<16xi32>
      %broadcast_in_dim3A_312 = arith.constant 1 : i32
      %broadcast_in_dim3A_313 = vector.broadcast %broadcast_in_dim3A_312 : i32 to vector<16xi32>
      %gather3A_314 = tpu.vector_load_idx %arg6[%add3A_306, %broadcast_in_dim3A_313] : memref<264x29xf32, #tpu.memory_space<vmem>>[vector<16xi32>, vector<16xi32>], vector<16xf32>,
      %gt3A_315 = arith.cmpf ogt, %gather3A_314, %gather3A_309 : vector<16xf32>
      %select_n3A_316 = arith.select %gt3A_315, %gather3A_314, %gather3A_309 : vector<16xi1>, vector<16xf32>
      %jit3A_317 = arith.constant 1 : i32
      %broadcast_in_dim3A_318 = vector.broadcast %jit3A_317 : i32 to vector<16xi32>
      %select_n3A_319 = arith.select %gt3A_315, %broadcast_in_dim3A_318, %broadcast_in_dim3A_311 : vector<16xi1>, vector<16xi32>
      %broadcast_in_dim3A_320 = arith.constant 2 : i32
      %broadcast_in_dim3A_321 = vector.broadcast %broadcast_in_dim3A_320 : i32 to vector<16xi32>
      %gather3A_322 = tpu.vector_load_idx %arg6[%add3A_306, %broadcast_in_dim3A_321] : memref<264x29xf32, #tpu.memory_space<vmem>>[vector<16xi32>, vector<16xi32>], vector<16xf32>,
      %gt3A_323 = arith.cmpf ogt, %gather3A_322, %select_n3A_316 : vector<16xf32>
      %select_n3A_324 = arith.select %gt3A_323, %gather3A_322, %select_n3A_316 : vector<16xi1>, vector<16xf32>
      %jit3A_325 = arith.constant 2 : i32
      %broadcast_in_dim3A_326 = vector.broadcast %jit3A_325 : i32 to vector<16xi32>
      %select_n3A_327 = arith.select %gt3A_323, %broadcast_in_dim3A_326, %select_n3A_319 : vector<16xi1>, vector<16xi32>
      %broadcast_in_dim3A_328 = arith.constant 3 : i32
      %broadcast_in_dim3A_329 = vector.broadcast %broadcast_in_dim3A_328 : i32 to vector<16xi32>
      %gather3A_330 = tpu.vector_load_idx %arg6[%add3A_306, %broadcast_in_dim3A_329] : memref<264x29xf32, #tpu.memory_space<vmem>>[vector<16xi32>, vector<16xi32>], vector<16xf32>,
      %gt3A_331 = arith.cmpf ogt, %gather3A_330, %select_n3A_324 : vector<16xf32>
      %select_n3A_332 = arith.select %gt3A_331, %gather3A_330, %select_n3A_324 : vector<16xi1>, vector<16xf32>
      %jit3A_333 = arith.constant 3 : i32
      %broadcast_in_dim3A_334 = vector.broadcast %jit3A_333 : i32 to vector<16xi32>
      %select_n3A_335 = arith.select %gt3A_331, %broadcast_in_dim3A_334, %select_n3A_327 : vector<16xi1>, vector<16xi32>
      %broadcast_in_dim3A_336 = arith.constant 4 : i32
      %broadcast_in_dim3A_337 = vector.broadcast %broadcast_in_dim3A_336 : i32 to vector<16xi32>
      %gather3A_338 = tpu.vector_load_idx %arg6[%add3A_306, %broadcast_in_dim3A_337] : memref<264x29xf32, #tpu.memory_space<vmem>>[vector<16xi32>, vector<16xi32>], vector<16xf32>,
      %gt3A_339 = arith.cmpf ogt, %gather3A_338, %select_n3A_332 : vector<16xf32>
      %select_n3A_340 = arith.select %gt3A_339, %gather3A_338, %select_n3A_332 : vector<16xi1>, vector<16xf32>
      %jit3A_341 = arith.constant 4 : i32
      %broadcast_in_dim3A_342 = vector.broadcast %jit3A_341 : i32 to vector<16xi32>
      %select_n3A_343 = arith.select %gt3A_339, %broadcast_in_dim3A_342, %select_n3A_335 : vector<16xi1>, vector<16xi32>
      %broadcast_in_dim3A_344 = arith.constant 5 : i32
      %broadcast_in_dim3A_345 = vector.broadcast %broadcast_in_dim3A_344 : i32 to vector<16xi32>
      %gather3A_346 = tpu.vector_load_idx %arg6[%add3A_306, %broadcast_in_dim3A_345] : memref<264x29xf32, #tpu.memory_space<vmem>>[vector<16xi32>, vector<16xi32>], vector<16xf32>,
      %gt3A_347 = arith.cmpf ogt, %gather3A_346, %select_n3A_340 : vector<16xf32>
      %select_n3A_348 = arith.select %gt3A_347, %gather3A_346, %select_n3A_340 : vector<16xi1>, vector<16xf32>
      %jit3A_349 = arith.constant 5 : i32
      %broadcast_in_dim3A_350 = vector.broadcast %jit3A_349 : i32 to vector<16xi32>
      %select_n3A_351 = arith.select %gt3A_347, %broadcast_in_dim3A_350, %select_n3A_343 : vector<16xi1>, vector<16xi32>
      %broadcast_in_dim3A_352 = arith.constant 6 : i32
      %broadcast_in_dim3A_353 = vector.broadcast %broadcast_in_dim3A_352 : i32 to vector<16xi32>
      %gather3A_354 = tpu.vector_load_idx %arg6[%add3A_306, %broadcast_in_dim3A_353] : memref<264x29xf32, #tpu.memory_space<vmem>>[vector<16xi32>, vector<16xi32>], vector<16xf32>,
      %gt3A_355 = arith.cmpf ogt, %gather3A_354, %select_n3A_348 : vector<16xf32>
      %select_n3A_356 = arith.select %gt3A_355, %gather3A_354, %select_n3A_348 : vector<16xi1>, vector<16xf32>
      %jit3A_357 = arith.constant 6 : i32
      %broadcast_in_dim3A_358 = vector.broadcast %jit3A_357 : i32 to vector<16xi32>
      %select_n3A_359 = arith.select %gt3A_355, %broadcast_in_dim3A_358, %select_n3A_351 : vector<16xi1>, vector<16xi32>
      %broadcast_in_dim3A_360 = arith.constant 7 : i32
      %broadcast_in_dim3A_361 = vector.broadcast %broadcast_in_dim3A_360 : i32 to vector<16xi32>
      %gather3A_362 = tpu.vector_load_idx %arg6[%add3A_306, %broadcast_in_dim3A_361] : memref<264x29xf32, #tpu.memory_space<vmem>>[vector<16xi32>, vector<16xi32>], vector<16xf32>,
      %gt3A_363 = arith.cmpf ogt, %gather3A_362, %select_n3A_356 : vector<16xf32>
      %select_n3A_364 = arith.select %gt3A_363, %gather3A_362, %select_n3A_356 : vector<16xi1>, vector<16xf32>
      %jit3A_365 = arith.constant 7 : i32
      %broadcast_in_dim3A_366 = vector.broadcast %jit3A_365 : i32 to vector<16xi32>
      %select_n3A_367 = arith.select %gt3A_363, %broadcast_in_dim3A_366, %select_n3A_359 : vector<16xi1>, vector<16xi32>
      %broadcast_in_dim3A_368 = arith.constant 8 : i32
      %broadcast_in_dim3A_369 = vector.broadcast %broadcast_in_dim3A_368 : i32 to vector<16xi32>
      %gather3A_370 = tpu.vector_load_idx %arg6[%add3A_306, %broadcast_in_dim3A_369] : memref<264x29xf32, #tpu.memory_space<vmem>>[vector<16xi32>, vector<16xi32>], vector<16xf32>,
      %broadcast_in_dim3A_371 = arith.constant 8 : i32
      %broadcast_in_dim3A_372 = vector.broadcast %broadcast_in_dim3A_371 : i32 to vector<16xi32>
      %broadcast_in_dim3A_373 = arith.constant 9 : i32
      %broadcast_in_dim3A_374 = vector.broadcast %broadcast_in_dim3A_373 : i32 to vector<16xi32>
      %gather3A_375 = tpu.vector_load_idx %arg6[%add3A_306, %broadcast_in_dim3A_374] : memref<264x29xf32, #tpu.memory_space<vmem>>[vector<16xi32>, vector<16xi32>], vector<16xf32>,
      %gt3A_376 = arith.cmpf ogt, %gather3A_375, %gather3A_370 : vector<16xf32>
      %select_n3A_377 = arith.select %gt3A_376, %gather3A_375, %gather3A_370 : vector<16xi1>, vector<16xf32>
      %jit3A_378 = arith.constant 9 : i32
      %broadcast_in_dim3A_379 = vector.broadcast %jit3A_378 : i32 to vector<16xi32>
      %select_n3A_380 = arith.select %gt3A_376, %broadcast_in_dim3A_379, %broadcast_in_dim3A_372 : vector<16xi1>, vector<16xi32>
      %broadcast_in_dim3A_381 = arith.constant 10 : i32
      %broadcast_in_dim3A_382 = vector.broadcast %broadcast_in_dim3A_381 : i32 to vector<16xi32>
      %gather3A_383 = tpu.vector_load_idx %arg6[%add3A_306, %broadcast_in_dim3A_382] : memref<264x29xf32, #tpu.memory_space<vmem>>[vector<16xi32>, vector<16xi32>], vector<16xf32>,
      %gt3A_384 = arith.cmpf ogt, %gather3A_383, %select_n3A_377 : vector<16xf32>
      %select_n3A_385 = arith.select %gt3A_384, %gather3A_383, %select_n3A_377 : vector<16xi1>, vector<16xf32>
      %jit3A_386 = arith.constant 10 : i32
      %broadcast_in_dim3A_387 = vector.broadcast %jit3A_386 : i32 to vector<16xi32>
      %select_n3A_388 = arith.select %gt3A_384, %broadcast_in_dim3A_387, %select_n3A_380 : vector<16xi1>, vector<16xi32>
      %broadcast_in_dim3A_389 = arith.constant 11 : i32
      %broadcast_in_dim3A_390 = vector.broadcast %broadcast_in_dim3A_389 : i32 to vector<16xi32>
      %gather3A_391 = tpu.vector_load_idx %arg6[%add3A_306, %broadcast_in_dim3A_390] : memref<264x29xf32, #tpu.memory_space<vmem>>[vector<16xi32>, vector<16xi32>], vector<16xf32>,
      %gt3A_392 = arith.cmpf ogt, %gather3A_391, %select_n3A_385 : vector<16xf32>
      %select_n3A_393 = arith.select %gt3A_392, %gather3A_391, %select_n3A_385 : vector<16xi1>, vector<16xf32>
      %jit3A_394 = arith.constant 11 : i32
      %broadcast_in_dim3A_395 = vector.broadcast %jit3A_394 : i32 to vector<16xi32>
      %select_n3A_396 = arith.select %gt3A_392, %broadcast_in_dim3A_395, %select_n3A_388 : vector<16xi1>, vector<16xi32>
      %broadcast_in_dim3A_397 = arith.constant 12 : i32
      %broadcast_in_dim3A_398 = vector.broadcast %broadcast_in_dim3A_397 : i32 to vector<16xi32>
      %gather3A_399 = tpu.vector_load_idx %arg6[%add3A_306, %broadcast_in_dim3A_398] : memref<264x29xf32, #tpu.memory_space<vmem>>[vector<16xi32>, vector<16xi32>], vector<16xf32>,
      %gt3A_400 = arith.cmpf ogt, %gather3A_399, %select_n3A_393 : vector<16xf32>
      %select_n3A_401 = arith.select %gt3A_400, %gather3A_399, %select_n3A_393 : vector<16xi1>, vector<16xf32>
      %jit3A_402 = arith.constant 12 : i32
      %broadcast_in_dim3A_403 = vector.broadcast %jit3A_402 : i32 to vector<16xi32>
      %select_n3A_404 = arith.select %gt3A_400, %broadcast_in_dim3A_403, %select_n3A_396 : vector<16xi1>, vector<16xi32>
      %broadcast_in_dim3A_405 = arith.constant 13 : i32
      %broadcast_in_dim3A_406 = vector.broadcast %broadcast_in_dim3A_405 : i32 to vector<16xi32>
      %gather3A_407 = tpu.vector_load_idx %arg6[%add3A_306, %broadcast_in_dim3A_406] : memref<264x29xf32, #tpu.memory_space<vmem>>[vector<16xi32>, vector<16xi32>], vector<16xf32>,
      %gt3A_408 = arith.cmpf ogt, %gather3A_407, %select_n3A_401 : vector<16xf32>
      %select_n3A_409 = arith.select %gt3A_408, %gather3A_407, %select_n3A_401 : vector<16xi1>, vector<16xf32>
      %jit3A_410 = arith.constant 13 : i32
      %broadcast_in_dim3A_411 = vector.broadcast %jit3A_410 : i32 to vector<16xi32>
      %select_n3A_412 = arith.select %gt3A_408, %broadcast_in_dim3A_411, %select_n3A_404 : vector<16xi1>, vector<16xi32>
      %broadcast_in_dim3A_413 = arith.constant 14 : i32
      %broadcast_in_dim3A_414 = vector.broadcast %broadcast_in_dim3A_413 : i32 to vector<16xi32>
      %gather3A_415 = tpu.vector_load_idx %arg6[%add3A_306, %broadcast_in_dim3A_414] : memref<264x29xf32, #tpu.memory_space<vmem>>[vector<16xi32>, vector<16xi32>], vector<16xf32>,
      %gt3A_416 = arith.cmpf ogt, %gather3A_415, %select_n3A_409 : vector<16xf32>
      %select_n3A_417 = arith.select %gt3A_416, %gather3A_415, %select_n3A_409 : vector<16xi1>, vector<16xf32>
      %jit3A_418 = arith.constant 14 : i32
      %broadcast_in_dim3A_419 = vector.broadcast %jit3A_418 : i32 to vector<16xi32>
      %select_n3A_420 = arith.select %gt3A_416, %broadcast_in_dim3A_419, %select_n3A_412 : vector<16xi1>, vector<16xi32>
      %broadcast_in_dim3A_421 = arith.constant 15 : i32
      %broadcast_in_dim3A_422 = vector.broadcast %broadcast_in_dim3A_421 : i32 to vector<16xi32>
      %gather3A_423 = tpu.vector_load_idx %arg6[%add3A_306, %broadcast_in_dim3A_422] : memref<264x29xf32, #tpu.memory_space<vmem>>[vector<16xi32>, vector<16xi32>], vector<16xf32>,
      %gt3A_424 = arith.cmpf ogt, %gather3A_423, %select_n3A_417 : vector<16xf32>
      %select_n3A_425 = arith.select %gt3A_424, %gather3A_423, %select_n3A_417 : vector<16xi1>, vector<16xf32>
      %jit3A_426 = arith.constant 15 : i32
      %broadcast_in_dim3A_427 = vector.broadcast %jit3A_426 : i32 to vector<16xi32>
      %select_n3A_428 = arith.select %gt3A_424, %broadcast_in_dim3A_427, %select_n3A_420 : vector<16xi1>, vector<16xi32>
      %gt3A_429 = arith.cmpf ogt, %select_n3A_425, %select_n3A_364 : vector<16xf32>
      %select_n3A_430 = arith.select %gt3A_429, %select_n3A_425, %select_n3A_364 : vector<16xi1>, vector<16xf32>
      %select_n3A_431 = arith.select %gt3A_429, %select_n3A_428, %select_n3A_367 : vector<16xi1>, vector<16xi32>
      %broadcast_in_dim3A_432 = arith.constant 16 : i32
      %broadcast_in_dim3A_433 = vector.broadcast %broadcast_in_dim3A_432 : i32 to vector<16xi32>
      %gather3A_434 = tpu.vector_load_idx %arg6[%add3A_306, %broadcast_in_dim3A_433] : memref<264x29xf32, #tpu.memory_space<vmem>>[vector<16xi32>, vector<16xi32>], vector<16xf32>,
      %broadcast_in_dim3A_435 = arith.constant 16 : i32
      %broadcast_in_dim3A_436 = vector.broadcast %broadcast_in_dim3A_435 : i32 to vector<16xi32>
      %broadcast_in_dim3A_437 = arith.constant 17 : i32
      %broadcast_in_dim3A_438 = vector.broadcast %broadcast_in_dim3A_437 : i32 to vector<16xi32>
      %gather3A_439 = tpu.vector_load_idx %arg6[%add3A_306, %broadcast_in_dim3A_438] : memref<264x29xf32, #tpu.memory_space<vmem>>[vector<16xi32>, vector<16xi32>], vector<16xf32>,
      %gt3A_440 = arith.cmpf ogt, %gather3A_439, %gather3A_434 : vector<16xf32>
      %select_n3A_441 = arith.select %gt3A_440, %gather3A_439, %gather3A_434 : vector<16xi1>, vector<16xf32>
      %jit3A_442 = arith.constant 17 : i32
      %broadcast_in_dim3A_443 = vector.broadcast %jit3A_442 : i32 to vector<16xi32>
      %select_n3A_444 = arith.select %gt3A_440, %broadcast_in_dim3A_443, %broadcast_in_dim3A_436 : vector<16xi1>, vector<16xi32>
      %broadcast_in_dim3A_445 = arith.constant 18 : i32
      %broadcast_in_dim3A_446 = vector.broadcast %broadcast_in_dim3A_445 : i32 to vector<16xi32>
      %gather3A_447 = tpu.vector_load_idx %arg6[%add3A_306, %broadcast_in_dim3A_446] : memref<264x29xf32, #tpu.memory_space<vmem>>[vector<16xi32>, vector<16xi32>], vector<16xf32>,
      %gt3A_448 = arith.cmpf ogt, %gather3A_447, %select_n3A_441 : vector<16xf32>
      %select_n3A_449 = arith.select %gt3A_448, %gather3A_447, %select_n3A_441 : vector<16xi1>, vector<16xf32>
      %jit3A_450 = arith.constant 18 : i32
      %broadcast_in_dim3A_451 = vector.broadcast %jit3A_450 : i32 to vector<16xi32>
      %select_n3A_452 = arith.select %gt3A_448, %broadcast_in_dim3A_451, %select_n3A_444 : vector<16xi1>, vector<16xi32>
      %broadcast_in_dim3A_453 = arith.constant 19 : i32
      %broadcast_in_dim3A_454 = vector.broadcast %broadcast_in_dim3A_453 : i32 to vector<16xi32>
      %gather3A_455 = tpu.vector_load_idx %arg6[%add3A_306, %broadcast_in_dim3A_454] : memref<264x29xf32, #tpu.memory_space<vmem>>[vector<16xi32>, vector<16xi32>], vector<16xf32>,
      %gt3A_456 = arith.cmpf ogt, %gather3A_455, %select_n3A_449 : vector<16xf32>
      %select_n3A_457 = arith.select %gt3A_456, %gather3A_455, %select_n3A_449 : vector<16xi1>, vector<16xf32>
      %jit3A_458 = arith.constant 19 : i32
      %broadcast_in_dim3A_459 = vector.broadcast %jit3A_458 : i32 to vector<16xi32>
      %select_n3A_460 = arith.select %gt3A_456, %broadcast_in_dim3A_459, %select_n3A_452 : vector<16xi1>, vector<16xi32>
      %broadcast_in_dim3A_461 = arith.constant 20 : i32
      %broadcast_in_dim3A_462 = vector.broadcast %broadcast_in_dim3A_461 : i32 to vector<16xi32>
      %gather3A_463 = tpu.vector_load_idx %arg6[%add3A_306, %broadcast_in_dim3A_462] : memref<264x29xf32, #tpu.memory_space<vmem>>[vector<16xi32>, vector<16xi32>], vector<16xf32>,
      %gt3A_464 = arith.cmpf ogt, %gather3A_463, %select_n3A_457 : vector<16xf32>
      %select_n3A_465 = arith.select %gt3A_464, %gather3A_463, %select_n3A_457 : vector<16xi1>, vector<16xf32>
      %jit3A_466 = arith.constant 20 : i32
      %broadcast_in_dim3A_467 = vector.broadcast %jit3A_466 : i32 to vector<16xi32>
      %select_n3A_468 = arith.select %gt3A_464, %broadcast_in_dim3A_467, %select_n3A_460 : vector<16xi1>, vector<16xi32>
      %broadcast_in_dim3A_469 = arith.constant 21 : i32
      %broadcast_in_dim3A_470 = vector.broadcast %broadcast_in_dim3A_469 : i32 to vector<16xi32>
      %gather3A_471 = tpu.vector_load_idx %arg6[%add3A_306, %broadcast_in_dim3A_470] : memref<264x29xf32, #tpu.memory_space<vmem>>[vector<16xi32>, vector<16xi32>], vector<16xf32>,
      %gt3A_472 = arith.cmpf ogt, %gather3A_471, %select_n3A_465 : vector<16xf32>
      %select_n3A_473 = arith.select %gt3A_472, %gather3A_471, %select_n3A_465 : vector<16xi1>, vector<16xf32>
      %jit3A_474 = arith.constant 21 : i32
      %broadcast_in_dim3A_475 = vector.broadcast %jit3A_474 : i32 to vector<16xi32>
      %select_n3A_476 = arith.select %gt3A_472, %broadcast_in_dim3A_475, %select_n3A_468 : vector<16xi1>, vector<16xi32>
      %broadcast_in_dim3A_477 = arith.constant 22 : i32
      %broadcast_in_dim3A_478 = vector.broadcast %broadcast_in_dim3A_477 : i32 to vector<16xi32>
      %gather3A_479 = tpu.vector_load_idx %arg6[%add3A_306, %broadcast_in_dim3A_478] : memref<264x29xf32, #tpu.memory_space<vmem>>[vector<16xi32>, vector<16xi32>], vector<16xf32>,
      %gt3A_480 = arith.cmpf ogt, %gather3A_479, %select_n3A_473 : vector<16xf32>
      %select_n3A_481 = arith.select %gt3A_480, %gather3A_479, %select_n3A_473 : vector<16xi1>, vector<16xf32>
      %jit3A_482 = arith.constant 22 : i32
      %broadcast_in_dim3A_483 = vector.broadcast %jit3A_482 : i32 to vector<16xi32>
      %select_n3A_484 = arith.select %gt3A_480, %broadcast_in_dim3A_483, %select_n3A_476 : vector<16xi1>, vector<16xi32>
      %broadcast_in_dim3A_485 = arith.constant 23 : i32
      %broadcast_in_dim3A_486 = vector.broadcast %broadcast_in_dim3A_485 : i32 to vector<16xi32>
      %gather3A_487 = tpu.vector_load_idx %arg6[%add3A_306, %broadcast_in_dim3A_486] : memref<264x29xf32, #tpu.memory_space<vmem>>[vector<16xi32>, vector<16xi32>], vector<16xf32>,
      %broadcast_in_dim3A_488 = arith.constant 23 : i32
      %broadcast_in_dim3A_489 = vector.broadcast %broadcast_in_dim3A_488 : i32 to vector<16xi32>
      %broadcast_in_dim3A_490 = arith.constant 24 : i32
      %broadcast_in_dim3A_491 = vector.broadcast %broadcast_in_dim3A_490 : i32 to vector<16xi32>
      %gather3A_492 = tpu.vector_load_idx %arg6[%add3A_306, %broadcast_in_dim3A_491] : memref<264x29xf32, #tpu.memory_space<vmem>>[vector<16xi32>, vector<16xi32>], vector<16xf32>,
      %gt3A_493 = arith.cmpf ogt, %gather3A_492, %gather3A_487 : vector<16xf32>
      %select_n3A_494 = arith.select %gt3A_493, %gather3A_492, %gather3A_487 : vector<16xi1>, vector<16xf32>
      %jit3A_495 = arith.constant 24 : i32
      %broadcast_in_dim3A_496 = vector.broadcast %jit3A_495 : i32 to vector<16xi32>
      %select_n3A_497 = arith.select %gt3A_493, %broadcast_in_dim3A_496, %broadcast_in_dim3A_489 : vector<16xi1>, vector<16xi32>
      %broadcast_in_dim3A_498 = arith.constant 25 : i32
      %broadcast_in_dim3A_499 = vector.broadcast %broadcast_in_dim3A_498 : i32 to vector<16xi32>
      %gather3A_500 = tpu.vector_load_idx %arg6[%add3A_306, %broadcast_in_dim3A_499] : memref<264x29xf32, #tpu.memory_space<vmem>>[vector<16xi32>, vector<16xi32>], vector<16xf32>,
      %gt3A_501 = arith.cmpf ogt, %gather3A_500, %select_n3A_494 : vector<16xf32>
      %select_n3A_502 = arith.select %gt3A_501, %gather3A_500, %select_n3A_494 : vector<16xi1>, vector<16xf32>
      %jit3A_503 = arith.constant 25 : i32
      %broadcast_in_dim3A_504 = vector.broadcast %jit3A_503 : i32 to vector<16xi32>
      %select_n3A_505 = arith.select %gt3A_501, %broadcast_in_dim3A_504, %select_n3A_497 : vector<16xi1>, vector<16xi32>
      %broadcast_in_dim3A_506 = arith.constant 26 : i32
      %broadcast_in_dim3A_507 = vector.broadcast %broadcast_in_dim3A_506 : i32 to vector<16xi32>
      %gather3A_508 = tpu.vector_load_idx %arg6[%add3A_306, %broadcast_in_dim3A_507] : memref<264x29xf32, #tpu.memory_space<vmem>>[vector<16xi32>, vector<16xi32>], vector<16xf32>,
      %gt3A_509 = arith.cmpf ogt, %gather3A_508, %select_n3A_502 : vector<16xf32>
      %select_n3A_510 = arith.select %gt3A_509, %gather3A_508, %select_n3A_502 : vector<16xi1>, vector<16xf32>
      %jit3A_511 = arith.constant 26 : i32
      %broadcast_in_dim3A_512 = vector.broadcast %jit3A_511 : i32 to vector<16xi32>
      %select_n3A_513 = arith.select %gt3A_509, %broadcast_in_dim3A_512, %select_n3A_505 : vector<16xi1>, vector<16xi32>
      %broadcast_in_dim3A_514 = arith.constant 27 : i32
      %broadcast_in_dim3A_515 = vector.broadcast %broadcast_in_dim3A_514 : i32 to vector<16xi32>
      %gather3A_516 = tpu.vector_load_idx %arg6[%add3A_306, %broadcast_in_dim3A_515] : memref<264x29xf32, #tpu.memory_space<vmem>>[vector<16xi32>, vector<16xi32>], vector<16xf32>,
      %gt3A_517 = arith.cmpf ogt, %gather3A_516, %select_n3A_510 : vector<16xf32>
      %select_n3A_518 = arith.select %gt3A_517, %gather3A_516, %select_n3A_510 : vector<16xi1>, vector<16xf32>
      %jit3A_519 = arith.constant 27 : i32
      %broadcast_in_dim3A_520 = vector.broadcast %jit3A_519 : i32 to vector<16xi32>
      %select_n3A_521 = arith.select %gt3A_517, %broadcast_in_dim3A_520, %select_n3A_513 : vector<16xi1>, vector<16xi32>
      %broadcast_in_dim3A_522 = arith.constant 28 : i32
      %broadcast_in_dim3A_523 = vector.broadcast %broadcast_in_dim3A_522 : i32 to vector<16xi32>
      %gather3A_524 = tpu.vector_load_idx %arg6[%add3A_306, %broadcast_in_dim3A_523] : memref<264x29xf32, #tpu.memory_space<vmem>>[vector<16xi32>, vector<16xi32>], vector<16xf32>,
      %gt3A_525 = arith.cmpf ogt, %gather3A_524, %select_n3A_518 : vector<16xf32>
      %select_n3A_526 = arith.select %gt3A_525, %gather3A_524, %select_n3A_518 : vector<16xi1>, vector<16xf32>
      %jit3A_527 = arith.constant 28 : i32
      %broadcast_in_dim3A_528 = vector.broadcast %jit3A_527 : i32 to vector<16xi32>
      %select_n3A_529 = arith.select %gt3A_525, %broadcast_in_dim3A_528, %select_n3A_521 : vector<16xi1>, vector<16xi32>
      %gt3A_530 = arith.cmpf ogt, %select_n3A_526, %select_n3A_481 : vector<16xf32>
      %select_n3A_531 = arith.select %gt3A_530, %select_n3A_526, %select_n3A_481 : vector<16xi1>, vector<16xf32>
      %select_n3A_532 = arith.select %gt3A_530, %select_n3A_529, %select_n3A_484 : vector<16xi1>, vector<16xi32>
      %gt3A_533 = arith.cmpf ogt, %select_n3A_531, %select_n3A_430 : vector<16xf32>
      %select_n3A_534 = arith.select %gt3A_533, %select_n3A_531, %select_n3A_430 : vector<16xi1>, vector<16xf32>
      %select_n3A_535 = arith.select %gt3A_533, %select_n3A_532, %select_n3A_431 : vector<16xi1>, vector<16xi32>
      %sub3A_536 = arith.constant 1 : i32
      %sub3A_537 = vector.broadcast %sub3A_536 : i32 to vector<16xi32>
      %sub3A_538 = arith.subi %iota3A, %sub3A_537 : vector<16xi32>
      %and3A = arith.constant 15 : i32
      %and3A_539 = vector.broadcast %and3A : i32 to vector<16xi32>
      %and3A_540 = arith.andi %sub3A_538, %and3A_539 : vector<16xi32>
      %lt3A = arith.constant 0 : i32
      %lt3A_541 = vector.broadcast %lt3A : i32 to vector<16xi32>
      %lt3A_542 = arith.cmpi slt, %and3A_540, %lt3A_541 : vector<16xi32>
      %add3A_543 = arith.constant 16 : i32
      %add3A_544 = vector.broadcast %add3A_543 : i32 to vector<16xi32>
      %add3A_545 = arith.addi %and3A_540, %add3A_544 : vector<16xi32>
      %select_n3A_546 = arith.select %lt3A_542, %add3A_545, %and3A_540 : vector<16xi1>, vector<16xi32>
      %broadcast_in_dim3A_547 = vector.shape_cast %select_n3A_546 : vector<16xi32> to vector<16x1xi32>
      %gather3A_548 = vector.shape_cast %broadcast_in_dim3A_547 : vector<16x1xi32> to vector<16xi32>
      %gather3A_549 = tpu.dynamic_gather %select_n3A_535[%gather3A_548] in [0] : vector<16xi32>, vector<16xi32> -> vector<16xi32>
      %eq3A = arith.constant 0 : i32
      %eq3A_550 = vector.broadcast %eq3A : i32 to vector<16xi32>
      %eq3A_551 = arith.cmpi eq, %iota3A, %eq3A_550 : vector<16xi32>
      %select_n3A_552 = arith.select %eq3A_551, %scan3A_301, %gather3A_549 : vector<16xi1>, vector<16xi32>
      %mul3A_553 = arith.constant 16 : i32
      %mul3A_554 = arith.muli %scan3A_300, %mul3A_553 : i32
      %add3A_555 = arith.addi %mul3A_2, %mul3A_554 : i32
      %add3A_556 = vector.broadcast %add3A_555 : i32 to vector<16xi32>
      %add3A_557 = arith.addi %add3A_556, %iota3A : vector<16xi32>
      %ne3A = arith.cmpi ne, %select_n3A_535, %select_n3A_552 : vector<16xi32>
      %eq3A_558 = arith.constant 0 : i32
      %eq3A_559 = vector.broadcast %eq3A_558 : i32 to vector<16xi32>
      %eq3A_560 = arith.cmpi eq, %add3A_557, %eq3A_559 : vector<16xi32>
      %or3A = arith.ori %ne3A, %eq3A_560 : vector<16xi1>
      %ne3A_561 = arith.constant 0 : i32
      %ne3A_562 = vector.broadcast %ne3A_561 : i32 to vector<16xi32>
      %ne3A_563 = arith.cmpi ne, %select_n3A_535, %ne3A_562 : vector<16xi32>
      %and3A_564 = arith.andi %or3A, %ne3A_563 : vector<16xi1>
      %jit3A_565 = arith.constant -1 : i32
      %broadcast_in_dim3A_566 = vector.broadcast %jit3A_565 : i32 to vector<16xi32>
      %select_n3A_567 = arith.select %and3A_564, %select_n3A_535, %broadcast_in_dim3A_566 : vector<16xi1>, vector<16xi32>
      %mul3A_568 = arith.constant 16 : i32
      %mul3A_569 = arith.muli %scan3A_300, %mul3A_568 : i32
      %swap3A = arith.index_cast %mul3A_569 : i32 to index
      %swap3A_570 = tpu.vector_load %arg7[%swap3A] {strides = array<i32>} : memref<256xi32, #tpu.memory_space<vmem>>, vector<16xi32>,
      tpu.vector_store %arg7[%swap3A], %select_n3A_567 {strides = array<i32>} : memref<256xi32, #tpu.memory_space<vmem>>, vector<16xi32>,
      %jit3A_571 = arith.constant 1 : i32
      %jit3A_572 = arith.constant 0 : i32
      %broadcast_in_dim3A_573 = vector.broadcast %jit3A_571 : i32 to vector<16xi32>
      %broadcast_in_dim3A_574 = vector.broadcast %jit3A_572 : i32 to vector<16xi32>
      %select_n3A_575 = arith.select %and3A_564, %broadcast_in_dim3A_573, %broadcast_in_dim3A_574 : vector<16xi1>, vector<16xi32>
      %mul3A_576 = arith.constant 16 : i32
      %mul3A_577 = arith.muli %scan3A_300, %mul3A_576 : i32
      %swap3A_578 = arith.index_cast %mul3A_577 : i32 to index
      %swap3A_579 = tpu.vector_load %arg8[%swap3A_578] {strides = array<i32>} : memref<256xi32, #tpu.memory_space<vmem>>, vector<16xi32>,
      tpu.vector_store %arg8[%swap3A_578], %select_n3A_575 {strides = array<i32>} : memref<256xi32, #tpu.memory_space<vmem>>, vector<16xi32>,
      %mul3A_580 = arith.constant 16 : i32
      %mul3A_581 = arith.muli %scan3A_300, %mul3A_580 : i32
      %swap3A_582 = arith.index_cast %mul3A_581 : i32 to index
      %swap3A_583 = tpu.vector_load %arg9[%swap3A_582] {strides = array<i32>} : memref<256xf32, #tpu.memory_space<vmem>>, vector<16xf32>,
      tpu.vector_store %arg9[%swap3A_582], %select_n3A_534 {strides = array<i32>} : memref<256xf32, #tpu.memory_space<vmem>>, vector<16xf32>,
      %broadcast_in_dim3A_584 = arith.constant 15 : i32
      %broadcast_in_dim3A_585 = vector.broadcast %broadcast_in_dim3A_584 : i32 to vector<16xi32>
      %lt3A_586 = arith.constant 0 : i32
      %lt3A_587 = vector.broadcast %lt3A_586 : i32 to vector<16xi32>
      %lt3A_588 = arith.cmpi slt, %broadcast_in_dim3A_585, %lt3A_587 : vector<16xi32>
      %add3A_589 = arith.constant 16 : i32
      %add3A_590 = vector.broadcast %add3A_589 : i32 to vector<16xi32>
      %add3A_591 = arith.addi %broadcast_in_dim3A_585, %add3A_590 : vector<16xi32>
      %select_n3A_592 = arith.select %lt3A_588, %add3A_591, %broadcast_in_dim3A_585 : vector<16xi1>, vector<16xi32>
      %broadcast_in_dim3A_593 = vector.shape_cast %select_n3A_592 : vector<16xi32> to vector<16x1xi32>
      %gather3A_594 = vector.shape_cast %broadcast_in_dim3A_593 : vector<16x1xi32> to vector<16xi32>
      %gather3A_595 = tpu.dynamic_gather %select_n3A_535[%gather3A_594] in [0] : vector<16xi32>, vector<16xi32> -> vector<16xi32>
      scf.yield %gather3A_595 : vector<16xi32>
    }
    %scan3A_270 = arith.constant 8 : i32
    %dma_wait3A_271 = arith.constant 136 : i32
    %dma_wait3A_272 = arith.constant 0 : i32
    %dma_wait3A_273 = tpu.memref_slice %arg6[%dma_wait3A_271, %dma_wait3A_272] : memref<264x29xf32, #tpu.memory_space<vmem>> -> memref<128x29xf32, #tpu.memory_space<vmem>>
    %dma_wait3A_274 = arith.constant 0 : i32
    %dma_wait3A_275 = tpu.memref_slice %arg2[%multiple_of3A_17, %dma_wait3A_274] : memref<8192x29xf32, #tpu.memory_space<hbm>> -> memref<128x29xf32, #tpu.memory_space<hbm>>
    %dma_wait3A_276 = arith.constant 136 : i32
    %dma_wait3A_277 = arith.constant 0 : i32
    %dma_wait3A_278 = tpu.memref_slice %arg6[%dma_wait3A_276, %dma_wait3A_277] : memref<264x29xf32, #tpu.memory_space<vmem>> -> memref<128x29xf32, #tpu.memory_space<vmem>>
    %dma_wait3A_279 = arith.constant 0 : i32
    %dma_wait3A_280 = tpu.memref_slice %arg2[%multiple_of3A_17, %dma_wait3A_279] : memref<8192x29xf32, #tpu.memory_space<hbm>> -> memref<128x29xf32, #tpu.memory_space<hbm>>
    tpu.wait_dma2 semaphore(%arg11 : memref<!tpu.dma_semaphore, #tpu.memory_space<semaphore_mem>>) src(%dma_wait3A_280 : memref<128x29xf32, #tpu.memory_space<hbm>>) dst(%dma_wait3A_278 : memref<128x29xf32, #tpu.memory_space<vmem>>)
    %scan3A_281 = arith.constant 8 : i32
    %scan3A_282 = arith.constant 8 : i32
    %scan3A_283 = arith.addi %scan3A_281, %scan3A_282 : i32
    %scan3A_284 = arith.constant 1 : i32
    %scan3A_285 = scf.for %scan3A_300 = %scan3A_281 to %scan3A_283 step %scan3A_284 iter_args(%scan3A_301 = %scan3A_269) -> (vector<16xi32>)  : i32 {
      %mul3A_302 = arith.constant 16 : i32
      %mul3A_303 = arith.muli %scan3A_300, %mul3A_302 : i32
      %add3A_304 = arith.addi %sub3A_5, %mul3A_303 : i32
      %add3A_305 = vector.broadcast %add3A_304 : i32 to vector<16xi32>
      %add3A_306 = arith.addi %add3A_305, %iota3A : vector<16xi32>
      %broadcast_in_dim3A_307 = arith.constant 0 : i32
      %broadcast_in_dim3A_308 = vector.broadcast %broadcast_in_dim3A_307 : i32 to vector<16xi32>
      %gather3A_309 = tpu.vector_load_idx %arg6[%add3A_306, %broadcast_in_dim3A_308] : memref<264x29xf32, #tpu.memory_space<vmem>>[vector<16xi32>, vector<16xi32>], vector<16xf32>,
      %broadcast_in_dim3A_310 = arith.constant 0 : i32
      %broadcast_in_dim3A_311 = vector.broadcast %broadcast_in_dim3A_310 : i32 to vector<16xi32>
      %broadcast_in_dim3A_312 = arith.constant 1 : i32
      %broadcast_in_dim3A_313 = vector.broadcast %broadcast_in_dim3A_312 : i32 to vector<16xi32>
      %gather3A_314 = tpu.vector_load_idx %arg6[%add3A_306, %broadcast_in_dim3A_313] : memref<264x29xf32, #tpu.memory_space<vmem>>[vector<16xi32>, vector<16xi32>], vector<16xf32>,
      %gt3A_315 = arith.cmpf ogt, %gather3A_314, %gather3A_309 : vector<16xf32>
      %select_n3A_316 = arith.select %gt3A_315, %gather3A_314, %gather3A_309 : vector<16xi1>, vector<16xf32>
      %jit3A_317 = arith.constant 1 : i32
      %broadcast_in_dim3A_318 = vector.broadcast %jit3A_317 : i32 to vector<16xi32>
      %select_n3A_319 = arith.select %gt3A_315, %broadcast_in_dim3A_318, %broadcast_in_dim3A_311 : vector<16xi1>, vector<16xi32>
      %broadcast_in_dim3A_320 = arith.constant 2 : i32
      %broadcast_in_dim3A_321 = vector.broadcast %broadcast_in_dim3A_320 : i32 to vector<16xi32>
      %gather3A_322 = tpu.vector_load_idx %arg6[%add3A_306, %broadcast_in_dim3A_321] : memref<264x29xf32, #tpu.memory_space<vmem>>[vector<16xi32>, vector<16xi32>], vector<16xf32>,
      %gt3A_323 = arith.cmpf ogt, %gather3A_322, %select_n3A_316 : vector<16xf32>
      %select_n3A_324 = arith.select %gt3A_323, %gather3A_322, %select_n3A_316 : vector<16xi1>, vector<16xf32>
      %jit3A_325 = arith.constant 2 : i32
      %broadcast_in_dim3A_326 = vector.broadcast %jit3A_325 : i32 to vector<16xi32>
      %select_n3A_327 = arith.select %gt3A_323, %broadcast_in_dim3A_326, %select_n3A_319 : vector<16xi1>, vector<16xi32>
      %broadcast_in_dim3A_328 = arith.constant 3 : i32
      %broadcast_in_dim3A_329 = vector.broadcast %broadcast_in_dim3A_328 : i32 to vector<16xi32>
      %gather3A_330 = tpu.vector_load_idx %arg6[%add3A_306, %broadcast_in_dim3A_329] : memref<264x29xf32, #tpu.memory_space<vmem>>[vector<16xi32>, vector<16xi32>], vector<16xf32>,
      %gt3A_331 = arith.cmpf ogt, %gather3A_330, %select_n3A_324 : vector<16xf32>
      %select_n3A_332 = arith.select %gt3A_331, %gather3A_330, %select_n3A_324 : vector<16xi1>, vector<16xf32>
      %jit3A_333 = arith.constant 3 : i32
      %broadcast_in_dim3A_334 = vector.broadcast %jit3A_333 : i32 to vector<16xi32>
      %select_n3A_335 = arith.select %gt3A_331, %broadcast_in_dim3A_334, %select_n3A_327 : vector<16xi1>, vector<16xi32>
      %broadcast_in_dim3A_336 = arith.constant 4 : i32
      %broadcast_in_dim3A_337 = vector.broadcast %broadcast_in_dim3A_336 : i32 to vector<16xi32>
      %gather3A_338 = tpu.vector_load_idx %arg6[%add3A_306, %broadcast_in_dim3A_337] : memref<264x29xf32, #tpu.memory_space<vmem>>[vector<16xi32>, vector<16xi32>], vector<16xf32>,
      %gt3A_339 = arith.cmpf ogt, %gather3A_338, %select_n3A_332 : vector<16xf32>
      %select_n3A_340 = arith.select %gt3A_339, %gather3A_338, %select_n3A_332 : vector<16xi1>, vector<16xf32>
      %jit3A_341 = arith.constant 4 : i32
      %broadcast_in_dim3A_342 = vector.broadcast %jit3A_341 : i32 to vector<16xi32>
      %select_n3A_343 = arith.select %gt3A_339, %broadcast_in_dim3A_342, %select_n3A_335 : vector<16xi1>, vector<16xi32>
      %broadcast_in_dim3A_344 = arith.constant 5 : i32
      %broadcast_in_dim3A_345 = vector.broadcast %broadcast_in_dim3A_344 : i32 to vector<16xi32>
      %gather3A_346 = tpu.vector_load_idx %arg6[%add3A_306, %broadcast_in_dim3A_345] : memref<264x29xf32, #tpu.memory_space<vmem>>[vector<16xi32>, vector<16xi32>], vector<16xf32>,
      %gt3A_347 = arith.cmpf ogt, %gather3A_346, %select_n3A_340 : vector<16xf32>
      %select_n3A_348 = arith.select %gt3A_347, %gather3A_346, %select_n3A_340 : vector<16xi1>, vector<16xf32>
      %jit3A_349 = arith.constant 5 : i32
      %broadcast_in_dim3A_350 = vector.broadcast %jit3A_349 : i32 to vector<16xi32>
      %select_n3A_351 = arith.select %gt3A_347, %broadcast_in_dim3A_350, %select_n3A_343 : vector<16xi1>, vector<16xi32>
      %broadcast_in_dim3A_352 = arith.constant 6 : i32
      %broadcast_in_dim3A_353 = vector.broadcast %broadcast_in_dim3A_352 : i32 to vector<16xi32>
      %gather3A_354 = tpu.vector_load_idx %arg6[%add3A_306, %broadcast_in_dim3A_353] : memref<264x29xf32, #tpu.memory_space<vmem>>[vector<16xi32>, vector<16xi32>], vector<16xf32>,
      %gt3A_355 = arith.cmpf ogt, %gather3A_354, %select_n3A_348 : vector<16xf32>
      %select_n3A_356 = arith.select %gt3A_355, %gather3A_354, %select_n3A_348 : vector<16xi1>, vector<16xf32>
      %jit3A_357 = arith.constant 6 : i32
      %broadcast_in_dim3A_358 = vector.broadcast %jit3A_357 : i32 to vector<16xi32>
      %select_n3A_359 = arith.select %gt3A_355, %broadcast_in_dim3A_358, %select_n3A_351 : vector<16xi1>, vector<16xi32>
      %broadcast_in_dim3A_360 = arith.constant 7 : i32
      %broadcast_in_dim3A_361 = vector.broadcast %broadcast_in_dim3A_360 : i32 to vector<16xi32>
      %gather3A_362 = tpu.vector_load_idx %arg6[%add3A_306, %broadcast_in_dim3A_361] : memref<264x29xf32, #tpu.memory_space<vmem>>[vector<16xi32>, vector<16xi32>], vector<16xf32>,
      %gt3A_363 = arith.cmpf ogt, %gather3A_362, %select_n3A_356 : vector<16xf32>
      %select_n3A_364 = arith.select %gt3A_363, %gather3A_362, %select_n3A_356 : vector<16xi1>, vector<16xf32>
      %jit3A_365 = arith.constant 7 : i32
      %broadcast_in_dim3A_366 = vector.broadcast %jit3A_365 : i32 to vector<16xi32>
      %select_n3A_367 = arith.select %gt3A_363, %broadcast_in_dim3A_366, %select_n3A_359 : vector<16xi1>, vector<16xi32>
      %broadcast_in_dim3A_368 = arith.constant 8 : i32
      %broadcast_in_dim3A_369 = vector.broadcast %broadcast_in_dim3A_368 : i32 to vector<16xi32>
      %gather3A_370 = tpu.vector_load_idx %arg6[%add3A_306, %broadcast_in_dim3A_369] : memref<264x29xf32, #tpu.memory_space<vmem>>[vector<16xi32>, vector<16xi32>], vector<16xf32>,
      %broadcast_in_dim3A_371 = arith.constant 8 : i32
      %broadcast_in_dim3A_372 = vector.broadcast %broadcast_in_dim3A_371 : i32 to vector<16xi32>
      %broadcast_in_dim3A_373 = arith.constant 9 : i32
      %broadcast_in_dim3A_374 = vector.broadcast %broadcast_in_dim3A_373 : i32 to vector<16xi32>
      %gather3A_375 = tpu.vector_load_idx %arg6[%add3A_306, %broadcast_in_dim3A_374] : memref<264x29xf32, #tpu.memory_space<vmem>>[vector<16xi32>, vector<16xi32>], vector<16xf32>,
      %gt3A_376 = arith.cmpf ogt, %gather3A_375, %gather3A_370 : vector<16xf32>
      %select_n3A_377 = arith.select %gt3A_376, %gather3A_375, %gather3A_370 : vector<16xi1>, vector<16xf32>
      %jit3A_378 = arith.constant 9 : i32
      %broadcast_in_dim3A_379 = vector.broadcast %jit3A_378 : i32 to vector<16xi32>
      %select_n3A_380 = arith.select %gt3A_376, %broadcast_in_dim3A_379, %broadcast_in_dim3A_372 : vector<16xi1>, vector<16xi32>
      %broadcast_in_dim3A_381 = arith.constant 10 : i32
      %broadcast_in_dim3A_382 = vector.broadcast %broadcast_in_dim3A_381 : i32 to vector<16xi32>
      %gather3A_383 = tpu.vector_load_idx %arg6[%add3A_306, %broadcast_in_dim3A_382] : memref<264x29xf32, #tpu.memory_space<vmem>>[vector<16xi32>, vector<16xi32>], vector<16xf32>,
      %gt3A_384 = arith.cmpf ogt, %gather3A_383, %select_n3A_377 : vector<16xf32>
      %select_n3A_385 = arith.select %gt3A_384, %gather3A_383, %select_n3A_377 : vector<16xi1>, vector<16xf32>
      %jit3A_386 = arith.constant 10 : i32
      %broadcast_in_dim3A_387 = vector.broadcast %jit3A_386 : i32 to vector<16xi32>
      %select_n3A_388 = arith.select %gt3A_384, %broadcast_in_dim3A_387, %select_n3A_380 : vector<16xi1>, vector<16xi32>
      %broadcast_in_dim3A_389 = arith.constant 11 : i32
      %broadcast_in_dim3A_390 = vector.broadcast %broadcast_in_dim3A_389 : i32 to vector<16xi32>
      %gather3A_391 = tpu.vector_load_idx %arg6[%add3A_306, %broadcast_in_dim3A_390] : memref<264x29xf32, #tpu.memory_space<vmem>>[vector<16xi32>, vector<16xi32>], vector<16xf32>,
      %gt3A_392 = arith.cmpf ogt, %gather3A_391, %select_n3A_385 : vector<16xf32>
      %select_n3A_393 = arith.select %gt3A_392, %gather3A_391, %select_n3A_385 : vector<16xi1>, vector<16xf32>
      %jit3A_394 = arith.constant 11 : i32
      %broadcast_in_dim3A_395 = vector.broadcast %jit3A_394 : i32 to vector<16xi32>
      %select_n3A_396 = arith.select %gt3A_392, %broadcast_in_dim3A_395, %select_n3A_388 : vector<16xi1>, vector<16xi32>
      %broadcast_in_dim3A_397 = arith.constant 12 : i32
      %broadcast_in_dim3A_398 = vector.broadcast %broadcast_in_dim3A_397 : i32 to vector<16xi32>
      %gather3A_399 = tpu.vector_load_idx %arg6[%add3A_306, %broadcast_in_dim3A_398] : memref<264x29xf32, #tpu.memory_space<vmem>>[vector<16xi32>, vector<16xi32>], vector<16xf32>,
      %gt3A_400 = arith.cmpf ogt, %gather3A_399, %select_n3A_393 : vector<16xf32>
      %select_n3A_401 = arith.select %gt3A_400, %gather3A_399, %select_n3A_393 : vector<16xi1>, vector<16xf32>
      %jit3A_402 = arith.constant 12 : i32
      %broadcast_in_dim3A_403 = vector.broadcast %jit3A_402 : i32 to vector<16xi32>
      %select_n3A_404 = arith.select %gt3A_400, %broadcast_in_dim3A_403, %select_n3A_396 : vector<16xi1>, vector<16xi32>
      %broadcast_in_dim3A_405 = arith.constant 13 : i32
      %broadcast_in_dim3A_406 = vector.broadcast %broadcast_in_dim3A_405 : i32 to vector<16xi32>
      %gather3A_407 = tpu.vector_load_idx %arg6[%add3A_306, %broadcast_in_dim3A_406] : memref<264x29xf32, #tpu.memory_space<vmem>>[vector<16xi32>, vector<16xi32>], vector<16xf32>,
      %gt3A_408 = arith.cmpf ogt, %gather3A_407, %select_n3A_401 : vector<16xf32>
      %select_n3A_409 = arith.select %gt3A_408, %gather3A_407, %select_n3A_401 : vector<16xi1>, vector<16xf32>
      %jit3A_410 = arith.constant 13 : i32
      %broadcast_in_dim3A_411 = vector.broadcast %jit3A_410 : i32 to vector<16xi32>
      %select_n3A_412 = arith.select %gt3A_408, %broadcast_in_dim3A_411, %select_n3A_404 : vector<16xi1>, vector<16xi32>
      %broadcast_in_dim3A_413 = arith.constant 14 : i32
      %broadcast_in_dim3A_414 = vector.broadcast %broadcast_in_dim3A_413 : i32 to vector<16xi32>
      %gather3A_415 = tpu.vector_load_idx %arg6[%add3A_306, %broadcast_in_dim3A_414] : memref<264x29xf32, #tpu.memory_space<vmem>>[vector<16xi32>, vector<16xi32>], vector<16xf32>,
      %gt3A_416 = arith.cmpf ogt, %gather3A_415, %select_n3A_409 : vector<16xf32>
      %select_n3A_417 = arith.select %gt3A_416, %gather3A_415, %select_n3A_409 : vector<16xi1>, vector<16xf32>
      %jit3A_418 = arith.constant 14 : i32
      %broadcast_in_dim3A_419 = vector.broadcast %jit3A_418 : i32 to vector<16xi32>
      %select_n3A_420 = arith.select %gt3A_416, %broadcast_in_dim3A_419, %select_n3A_412 : vector<16xi1>, vector<16xi32>
      %broadcast_in_dim3A_421 = arith.constant 15 : i32
      %broadcast_in_dim3A_422 = vector.broadcast %broadcast_in_dim3A_421 : i32 to vector<16xi32>
      %gather3A_423 = tpu.vector_load_idx %arg6[%add3A_306, %broadcast_in_dim3A_422] : memref<264x29xf32, #tpu.memory_space<vmem>>[vector<16xi32>, vector<16xi32>], vector<16xf32>,
      %gt3A_424 = arith.cmpf ogt, %gather3A_423, %select_n3A_417 : vector<16xf32>
      %select_n3A_425 = arith.select %gt3A_424, %gather3A_423, %select_n3A_417 : vector<16xi1>, vector<16xf32>
      %jit3A_426 = arith.constant 15 : i32
      %broadcast_in_dim3A_427 = vector.broadcast %jit3A_426 : i32 to vector<16xi32>
      %select_n3A_428 = arith.select %gt3A_424, %broadcast_in_dim3A_427, %select_n3A_420 : vector<16xi1>, vector<16xi32>
      %gt3A_429 = arith.cmpf ogt, %select_n3A_425, %select_n3A_364 : vector<16xf32>
      %select_n3A_430 = arith.select %gt3A_429, %select_n3A_425, %select_n3A_364 : vector<16xi1>, vector<16xf32>
      %select_n3A_431 = arith.select %gt3A_429, %select_n3A_428, %select_n3A_367 : vector<16xi1>, vector<16xi32>
      %broadcast_in_dim3A_432 = arith.constant 16 : i32
      %broadcast_in_dim3A_433 = vector.broadcast %broadcast_in_dim3A_432 : i32 to vector<16xi32>
      %gather3A_434 = tpu.vector_load_idx %arg6[%add3A_306, %broadcast_in_dim3A_433] : memref<264x29xf32, #tpu.memory_space<vmem>>[vector<16xi32>, vector<16xi32>], vector<16xf32>,
      %broadcast_in_dim3A_435 = arith.constant 16 : i32
      %broadcast_in_dim3A_436 = vector.broadcast %broadcast_in_dim3A_435 : i32 to vector<16xi32>
      %broadcast_in_dim3A_437 = arith.constant 17 : i32
      %broadcast_in_dim3A_438 = vector.broadcast %broadcast_in_dim3A_437 : i32 to vector<16xi32>
      %gather3A_439 = tpu.vector_load_idx %arg6[%add3A_306, %broadcast_in_dim3A_438] : memref<264x29xf32, #tpu.memory_space<vmem>>[vector<16xi32>, vector<16xi32>], vector<16xf32>,
      %gt3A_440 = arith.cmpf ogt, %gather3A_439, %gather3A_434 : vector<16xf32>
      %select_n3A_441 = arith.select %gt3A_440, %gather3A_439, %gather3A_434 : vector<16xi1>, vector<16xf32>
      %jit3A_442 = arith.constant 17 : i32
      %broadcast_in_dim3A_443 = vector.broadcast %jit3A_442 : i32 to vector<16xi32>
      %select_n3A_444 = arith.select %gt3A_440, %broadcast_in_dim3A_443, %broadcast_in_dim3A_436 : vector<16xi1>, vector<16xi32>
      %broadcast_in_dim3A_445 = arith.constant 18 : i32
      %broadcast_in_dim3A_446 = vector.broadcast %broadcast_in_dim3A_445 : i32 to vector<16xi32>
      %gather3A_447 = tpu.vector_load_idx %arg6[%add3A_306, %broadcast_in_dim3A_446] : memref<264x29xf32, #tpu.memory_space<vmem>>[vector<16xi32>, vector<16xi32>], vector<16xf32>,
      %gt3A_448 = arith.cmpf ogt, %gather3A_447, %select_n3A_441 : vector<16xf32>
      %select_n3A_449 = arith.select %gt3A_448, %gather3A_447, %select_n3A_441 : vector<16xi1>, vector<16xf32>
      %jit3A_450 = arith.constant 18 : i32
      %broadcast_in_dim3A_451 = vector.broadcast %jit3A_450 : i32 to vector<16xi32>
      %select_n3A_452 = arith.select %gt3A_448, %broadcast_in_dim3A_451, %select_n3A_444 : vector<16xi1>, vector<16xi32>
      %broadcast_in_dim3A_453 = arith.constant 19 : i32
      %broadcast_in_dim3A_454 = vector.broadcast %broadcast_in_dim3A_453 : i32 to vector<16xi32>
      %gather3A_455 = tpu.vector_load_idx %arg6[%add3A_306, %broadcast_in_dim3A_454] : memref<264x29xf32, #tpu.memory_space<vmem>>[vector<16xi32>, vector<16xi32>], vector<16xf32>,
      %gt3A_456 = arith.cmpf ogt, %gather3A_455, %select_n3A_449 : vector<16xf32>
      %select_n3A_457 = arith.select %gt3A_456, %gather3A_455, %select_n3A_449 : vector<16xi1>, vector<16xf32>
      %jit3A_458 = arith.constant 19 : i32
      %broadcast_in_dim3A_459 = vector.broadcast %jit3A_458 : i32 to vector<16xi32>
      %select_n3A_460 = arith.select %gt3A_456, %broadcast_in_dim3A_459, %select_n3A_452 : vector<16xi1>, vector<16xi32>
      %broadcast_in_dim3A_461 = arith.constant 20 : i32
      %broadcast_in_dim3A_462 = vector.broadcast %broadcast_in_dim3A_461 : i32 to vector<16xi32>
      %gather3A_463 = tpu.vector_load_idx %arg6[%add3A_306, %broadcast_in_dim3A_462] : memref<264x29xf32, #tpu.memory_space<vmem>>[vector<16xi32>, vector<16xi32>], vector<16xf32>,
      %gt3A_464 = arith.cmpf ogt, %gather3A_463, %select_n3A_457 : vector<16xf32>
      %select_n3A_465 = arith.select %gt3A_464, %gather3A_463, %select_n3A_457 : vector<16xi1>, vector<16xf32>
      %jit3A_466 = arith.constant 20 : i32
      %broadcast_in_dim3A_467 = vector.broadcast %jit3A_466 : i32 to vector<16xi32>
      %select_n3A_468 = arith.select %gt3A_464, %broadcast_in_dim3A_467, %select_n3A_460 : vector<16xi1>, vector<16xi32>
      %broadcast_in_dim3A_469 = arith.constant 21 : i32
      %broadcast_in_dim3A_470 = vector.broadcast %broadcast_in_dim3A_469 : i32 to vector<16xi32>
      %gather3A_471 = tpu.vector_load_idx %arg6[%add3A_306, %broadcast_in_dim3A_470] : memref<264x29xf32, #tpu.memory_space<vmem>>[vector<16xi32>, vector<16xi32>], vector<16xf32>,
      %gt3A_472 = arith.cmpf ogt, %gather3A_471, %select_n3A_465 : vector<16xf32>
      %select_n3A_473 = arith.select %gt3A_472, %gather3A_471, %select_n3A_465 : vector<16xi1>, vector<16xf32>
      %jit3A_474 = arith.constant 21 : i32
      %broadcast_in_dim3A_475 = vector.broadcast %jit3A_474 : i32 to vector<16xi32>
      %select_n3A_476 = arith.select %gt3A_472, %broadcast_in_dim3A_475, %select_n3A_468 : vector<16xi1>, vector<16xi32>
      %broadcast_in_dim3A_477 = arith.constant 22 : i32
      %broadcast_in_dim3A_478 = vector.broadcast %broadcast_in_dim3A_477 : i32 to vector<16xi32>
      %gather3A_479 = tpu.vector_load_idx %arg6[%add3A_306, %broadcast_in_dim3A_478] : memref<264x29xf32, #tpu.memory_space<vmem>>[vector<16xi32>, vector<16xi32>], vector<16xf32>,
      %gt3A_480 = arith.cmpf ogt, %gather3A_479, %select_n3A_473 : vector<16xf32>
      %select_n3A_481 = arith.select %gt3A_480, %gather3A_479, %select_n3A_473 : vector<16xi1>, vector<16xf32>
      %jit3A_482 = arith.constant 22 : i32
      %broadcast_in_dim3A_483 = vector.broadcast %jit3A_482 : i32 to vector<16xi32>
      %select_n3A_484 = arith.select %gt3A_480, %broadcast_in_dim3A_483, %select_n3A_476 : vector<16xi1>, vector<16xi32>
      %broadcast_in_dim3A_485 = arith.constant 23 : i32
      %broadcast_in_dim3A_486 = vector.broadcast %broadcast_in_dim3A_485 : i32 to vector<16xi32>
      %gather3A_487 = tpu.vector_load_idx %arg6[%add3A_306, %broadcast_in_dim3A_486] : memref<264x29xf32, #tpu.memory_space<vmem>>[vector<16xi32>, vector<16xi32>], vector<16xf32>,
      %broadcast_in_dim3A_488 = arith.constant 23 : i32
      %broadcast_in_dim3A_489 = vector.broadcast %broadcast_in_dim3A_488 : i32 to vector<16xi32>
      %broadcast_in_dim3A_490 = arith.constant 24 : i32
      %broadcast_in_dim3A_491 = vector.broadcast %broadcast_in_dim3A_490 : i32 to vector<16xi32>
      %gather3A_492 = tpu.vector_load_idx %arg6[%add3A_306, %broadcast_in_dim3A_491] : memref<264x29xf32, #tpu.memory_space<vmem>>[vector<16xi32>, vector<16xi32>], vector<16xf32>,
      %gt3A_493 = arith.cmpf ogt, %gather3A_492, %gather3A_487 : vector<16xf32>
      %select_n3A_494 = arith.select %gt3A_493, %gather3A_492, %gather3A_487 : vector<16xi1>, vector<16xf32>
      %jit3A_495 = arith.constant 24 : i32
      %broadcast_in_dim3A_496 = vector.broadcast %jit3A_495 : i32 to vector<16xi32>
      %select_n3A_497 = arith.select %gt3A_493, %broadcast_in_dim3A_496, %broadcast_in_dim3A_489 : vector<16xi1>, vector<16xi32>
      %broadcast_in_dim3A_498 = arith.constant 25 : i32
      %broadcast_in_dim3A_499 = vector.broadcast %broadcast_in_dim3A_498 : i32 to vector<16xi32>
      %gather3A_500 = tpu.vector_load_idx %arg6[%add3A_306, %broadcast_in_dim3A_499] : memref<264x29xf32, #tpu.memory_space<vmem>>[vector<16xi32>, vector<16xi32>], vector<16xf32>,
      %gt3A_501 = arith.cmpf ogt, %gather3A_500, %select_n3A_494 : vector<16xf32>
      %select_n3A_502 = arith.select %gt3A_501, %gather3A_500, %select_n3A_494 : vector<16xi1>, vector<16xf32>
      %jit3A_503 = arith.constant 25 : i32
      %broadcast_in_dim3A_504 = vector.broadcast %jit3A_503 : i32 to vector<16xi32>
      %select_n3A_505 = arith.select %gt3A_501, %broadcast_in_dim3A_504, %select_n3A_497 : vector<16xi1>, vector<16xi32>
      %broadcast_in_dim3A_506 = arith.constant 26 : i32
      %broadcast_in_dim3A_507 = vector.broadcast %broadcast_in_dim3A_506 : i32 to vector<16xi32>
      %gather3A_508 = tpu.vector_load_idx %arg6[%add3A_306, %broadcast_in_dim3A_507] : memref<264x29xf32, #tpu.memory_space<vmem>>[vector<16xi32>, vector<16xi32>], vector<16xf32>,
      %gt3A_509 = arith.cmpf ogt, %gather3A_508, %select_n3A_502 : vector<16xf32>
      %select_n3A_510 = arith.select %gt3A_509, %gather3A_508, %select_n3A_502 : vector<16xi1>, vector<16xf32>
      %jit3A_511 = arith.constant 26 : i32
      %broadcast_in_dim3A_512 = vector.broadcast %jit3A_511 : i32 to vector<16xi32>
      %select_n3A_513 = arith.select %gt3A_509, %broadcast_in_dim3A_512, %select_n3A_505 : vector<16xi1>, vector<16xi32>
      %broadcast_in_dim3A_514 = arith.constant 27 : i32
      %broadcast_in_dim3A_515 = vector.broadcast %broadcast_in_dim3A_514 : i32 to vector<16xi32>
      %gather3A_516 = tpu.vector_load_idx %arg6[%add3A_306, %broadcast_in_dim3A_515] : memref<264x29xf32, #tpu.memory_space<vmem>>[vector<16xi32>, vector<16xi32>], vector<16xf32>,
      %gt3A_517 = arith.cmpf ogt, %gather3A_516, %select_n3A_510 : vector<16xf32>
      %select_n3A_518 = arith.select %gt3A_517, %gather3A_516, %select_n3A_510 : vector<16xi1>, vector<16xf32>
      %jit3A_519 = arith.constant 27 : i32
      %broadcast_in_dim3A_520 = vector.broadcast %jit3A_519 : i32 to vector<16xi32>
      %select_n3A_521 = arith.select %gt3A_517, %broadcast_in_dim3A_520, %select_n3A_513 : vector<16xi1>, vector<16xi32>
      %broadcast_in_dim3A_522 = arith.constant 28 : i32
      %broadcast_in_dim3A_523 = vector.broadcast %broadcast_in_dim3A_522 : i32 to vector<16xi32>
      %gather3A_524 = tpu.vector_load_idx %arg6[%add3A_306, %broadcast_in_dim3A_523] : memref<264x29xf32, #tpu.memory_space<vmem>>[vector<16xi32>, vector<16xi32>], vector<16xf32>,
      %gt3A_525 = arith.cmpf ogt, %gather3A_524, %select_n3A_518 : vector<16xf32>
      %select_n3A_526 = arith.select %gt3A_525, %gather3A_524, %select_n3A_518 : vector<16xi1>, vector<16xf32>
      %jit3A_527 = arith.constant 28 : i32
      %broadcast_in_dim3A_528 = vector.broadcast %jit3A_527 : i32 to vector<16xi32>
      %select_n3A_529 = arith.select %gt3A_525, %broadcast_in_dim3A_528, %select_n3A_521 : vector<16xi1>, vector<16xi32>
      %gt3A_530 = arith.cmpf ogt, %select_n3A_526, %select_n3A_481 : vector<16xf32>
      %select_n3A_531 = arith.select %gt3A_530, %select_n3A_526, %select_n3A_481 : vector<16xi1>, vector<16xf32>
      %select_n3A_532 = arith.select %gt3A_530, %select_n3A_529, %select_n3A_484 : vector<16xi1>, vector<16xi32>
      %gt3A_533 = arith.cmpf ogt, %select_n3A_531, %select_n3A_430 : vector<16xf32>
      %select_n3A_534 = arith.select %gt3A_533, %select_n3A_531, %select_n3A_430 : vector<16xi1>, vector<16xf32>
      %select_n3A_535 = arith.select %gt3A_533, %select_n3A_532, %select_n3A_431 : vector<16xi1>, vector<16xi32>
      %sub3A_536 = arith.constant 1 : i32
      %sub3A_537 = vector.broadcast %sub3A_536 : i32 to vector<16xi32>
      %sub3A_538 = arith.subi %iota3A, %sub3A_537 : vector<16xi32>
      %and3A = arith.constant 15 : i32
      %and3A_539 = vector.broadcast %and3A : i32 to vector<16xi32>
      %and3A_540 = arith.andi %sub3A_538, %and3A_539 : vector<16xi32>
      %lt3A = arith.constant 0 : i32
      %lt3A_541 = vector.broadcast %lt3A : i32 to vector<16xi32>
      %lt3A_542 = arith.cmpi slt, %and3A_540, %lt3A_541 : vector<16xi32>
      %add3A_543 = arith.constant 16 : i32
      %add3A_544 = vector.broadcast %add3A_543 : i32 to vector<16xi32>
      %add3A_545 = arith.addi %and3A_540, %add3A_544 : vector<16xi32>
      %select_n3A_546 = arith.select %lt3A_542, %add3A_545, %and3A_540 : vector<16xi1>, vector<16xi32>
      %broadcast_in_dim3A_547 = vector.shape_cast %select_n3A_546 : vector<16xi32> to vector<16x1xi32>
      %gather3A_548 = vector.shape_cast %broadcast_in_dim3A_547 : vector<16x1xi32> to vector<16xi32>
      %gather3A_549 = tpu.dynamic_gather %select_n3A_535[%gather3A_548] in [0] : vector<16xi32>, vector<16xi32> -> vector<16xi32>
      %eq3A = arith.constant 0 : i32
      %eq3A_550 = vector.broadcast %eq3A : i32 to vector<16xi32>
      %eq3A_551 = arith.cmpi eq, %iota3A, %eq3A_550 : vector<16xi32>
      %select_n3A_552 = arith.select %eq3A_551, %scan3A_301, %gather3A_549 : vector<16xi1>, vector<16xi32>
      %mul3A_553 = arith.constant 16 : i32
      %mul3A_554 = arith.muli %scan3A_300, %mul3A_553 : i32
      %add3A_555 = arith.addi %mul3A_2, %mul3A_554 : i32
      %add3A_556 = vector.broadcast %add3A_555 : i32 to vector<16xi32>
      %add3A_557 = arith.addi %add3A_556, %iota3A : vector<16xi32>
      %ne3A = arith.cmpi ne, %select_n3A_535, %select_n3A_552 : vector<16xi32>
      %eq3A_558 = arith.constant 0 : i32
      %eq3A_559 = vector.broadcast %eq3A_558 : i32 to vector<16xi32>
      %eq3A_560 = arith.cmpi eq, %add3A_557, %eq3A_559 : vector<16xi32>
      %or3A = arith.ori %ne3A, %eq3A_560 : vector<16xi1>
      %ne3A_561 = arith.constant 0 : i32
      %ne3A_562 = vector.broadcast %ne3A_561 : i32 to vector<16xi32>
      %ne3A_563 = arith.cmpi ne, %select_n3A_535, %ne3A_562 : vector<16xi32>
      %and3A_564 = arith.andi %or3A, %ne3A_563 : vector<16xi1>
      %jit3A_565 = arith.constant -1 : i32
      %broadcast_in_dim3A_566 = vector.broadcast %jit3A_565 : i32 to vector<16xi32>
      %select_n3A_567 = arith.select %and3A_564, %select_n3A_535, %broadcast_in_dim3A_566 : vector<16xi1>, vector<16xi32>
      %mul3A_568 = arith.constant 16 : i32
      %mul3A_569 = arith.muli %scan3A_300, %mul3A_568 : i32
      %swap3A = arith.index_cast %mul3A_569 : i32 to index
      %swap3A_570 = tpu.vector_load %arg7[%swap3A] {strides = array<i32>} : memref<256xi32, #tpu.memory_space<vmem>>, vector<16xi32>,
      tpu.vector_store %arg7[%swap3A], %select_n3A_567 {strides = array<i32>} : memref<256xi32, #tpu.memory_space<vmem>>, vector<16xi32>,
      %jit3A_571 = arith.constant 1 : i32
      %jit3A_572 = arith.constant 0 : i32
      %broadcast_in_dim3A_573 = vector.broadcast %jit3A_571 : i32 to vector<16xi32>
      %broadcast_in_dim3A_574 = vector.broadcast %jit3A_572 : i32 to vector<16xi32>
      %select_n3A_575 = arith.select %and3A_564, %broadcast_in_dim3A_573, %broadcast_in_dim3A_574 : vector<16xi1>, vector<16xi32>
      %mul3A_576 = arith.constant 16 : i32
      %mul3A_577 = arith.muli %scan3A_300, %mul3A_576 : i32
      %swap3A_578 = arith.index_cast %mul3A_577 : i32 to index
      %swap3A_579 = tpu.vector_load %arg8[%swap3A_578] {strides = array<i32>} : memref<256xi32, #tpu.memory_space<vmem>>, vector<16xi32>,
      tpu.vector_store %arg8[%swap3A_578], %select_n3A_575 {strides = array<i32>} : memref<256xi32, #tpu.memory_space<vmem>>, vector<16xi32>,
      %mul3A_580 = arith.constant 16 : i32
      %mul3A_581 = arith.muli %scan3A_300, %mul3A_580 : i32
      %swap3A_582 = arith.index_cast %mul3A_581 : i32 to index
      %swap3A_583 = tpu.vector_load %arg9[%swap3A_582] {strides = array<i32>} : memref<256xf32, #tpu.memory_space<vmem>>, vector<16xf32>,
      tpu.vector_store %arg9[%swap3A_582], %select_n3A_534 {strides = array<i32>} : memref<256xf32, #tpu.memory_space<vmem>>, vector<16xf32>,
      %broadcast_in_dim3A_584 = arith.constant 15 : i32
      %broadcast_in_dim3A_585 = vector.broadcast %broadcast_in_dim3A_584 : i32 to vector<16xi32>
      %lt3A_586 = arith.constant 0 : i32
      %lt3A_587 = vector.broadcast %lt3A_586 : i32 to vector<16xi32>
      %lt3A_588 = arith.cmpi slt, %broadcast_in_dim3A_585, %lt3A_587 : vector<16xi32>
      %add3A_589 = arith.constant 16 : i32
      %add3A_590 = vector.broadcast %add3A_589 : i32 to vector<16xi32>
      %add3A_591 = arith.addi %broadcast_in_dim3A_585, %add3A_590 : vector<16xi32>
      %select_n3A_592 = arith.select %lt3A_588, %add3A_591, %broadcast_in_dim3A_585 : vector<16xi1>, vector<16xi32>
      %broadcast_in_dim3A_593 = vector.shape_cast %select_n3A_592 : vector<16xi32> to vector<16x1xi32>
      %gather3A_594 = vector.shape_cast %broadcast_in_dim3A_593 : vector<16x1xi32> to vector<16xi32>
      %gather3A_595 = tpu.dynamic_gather %select_n3A_535[%gather3A_594] in [0] : vector<16xi32>, vector<16xi32> -> vector<16xi32>
      scf.yield %gather3A_595 : vector<16xi32>
    }
    %scan3A_286 = arith.constant 8 : i32
    %multiple_of3A_287 = tpu.assume_multiple %mul3A_2, 8 : i32
    %dma_start3A_288 = tpu.memref_slice %arg3[%multiple_of3A_287] : memref<8192xi32, #tpu.memory_space<hbm>> -> memref<256xi32, #tpu.memory_space<hbm>>
    %dma_start3A_289 = tpu.memref_slice %arg3[%multiple_of3A_287] : memref<8192xi32, #tpu.memory_space<hbm>> -> memref<256xi32, #tpu.memory_space<hbm>>
    tpu.enqueue_dma source(%arg7 : memref<256xi32, #tpu.memory_space<vmem>>) target(%dma_start3A_289 : memref<256xi32, #tpu.memory_space<hbm>>) target_semaphore(%arg12 : memref<!tpu.dma_semaphore, #tpu.memory_space<semaphore_mem>>)
    %dma_start3A_290 = tpu.memref_slice %arg4[%multiple_of3A_287] : memref<8192xi32, #tpu.memory_space<hbm>> -> memref<256xi32, #tpu.memory_space<hbm>>
    %dma_start3A_291 = tpu.memref_slice %arg4[%multiple_of3A_287] : memref<8192xi32, #tpu.memory_space<hbm>> -> memref<256xi32, #tpu.memory_space<hbm>>
    tpu.enqueue_dma source(%arg8 : memref<256xi32, #tpu.memory_space<vmem>>) target(%dma_start3A_291 : memref<256xi32, #tpu.memory_space<hbm>>) target_semaphore(%arg13 : memref<!tpu.dma_semaphore, #tpu.memory_space<semaphore_mem>>)
    %dma_start3A_292 = tpu.memref_slice %arg5[%multiple_of3A_287] : memref<8192xf32, #tpu.memory_space<hbm>> -> memref<256xf32, #tpu.memory_space<hbm>>
    %dma_start3A_293 = tpu.memref_slice %arg5[%multiple_of3A_287] : memref<8192xf32, #tpu.memory_space<hbm>> -> memref<256xf32, #tpu.memory_space<hbm>>
    tpu.enqueue_dma source(%arg9 : memref<256xf32, #tpu.memory_space<vmem>>) target(%dma_start3A_293 : memref<256xf32, #tpu.memory_space<hbm>>) target_semaphore(%arg14 : memref<!tpu.dma_semaphore, #tpu.memory_space<semaphore_mem>>)
    %dma_wait3A_294 = tpu.memref_slice %arg3[%multiple_of3A_287] : memref<8192xi32, #tpu.memory_space<hbm>> -> memref<256xi32, #tpu.memory_space<hbm>>
    %dma_wait3A_295 = tpu.memref_slice %arg3[%multiple_of3A_287] : memref<8192xi32, #tpu.memory_space<hbm>> -> memref<256xi32, #tpu.memory_space<hbm>>
    tpu.wait_dma2 semaphore(%arg12 : memref<!tpu.dma_semaphore, #tpu.memory_space<semaphore_mem>>) src(%arg7 : memref<256xi32, #tpu.memory_space<vmem>>) dst(%dma_wait3A_295 : memref<256xi32, #tpu.memory_space<hbm>>)
    %dma_wait3A_296 = tpu.memref_slice %arg4[%multiple_of3A_287] : memref<8192xi32, #tpu.memory_space<hbm>> -> memref<256xi32, #tpu.memory_space<hbm>>
    %dma_wait3A_297 = tpu.memref_slice %arg4[%multiple_of3A_287] : memref<8192xi32, #tpu.memory_space<hbm>> -> memref<256xi32, #tpu.memory_space<hbm>>
    tpu.wait_dma2 semaphore(%arg13 : memref<!tpu.dma_semaphore, #tpu.memory_space<semaphore_mem>>) src(%arg8 : memref<256xi32, #tpu.memory_space<vmem>>) dst(%dma_wait3A_297 : memref<256xi32, #tpu.memory_space<hbm>>)
    %dma_wait3A_298 = tpu.memref_slice %arg5[%multiple_of3A_287] : memref<8192xf32, #tpu.memory_space<hbm>> -> memref<256xf32, #tpu.memory_space<hbm>>
    %dma_wait3A_299 = tpu.memref_slice %arg5[%multiple_of3A_287] : memref<8192xf32, #tpu.memory_space<hbm>> -> memref<256xf32, #tpu.memory_space<hbm>>
    tpu.wait_dma2 semaphore(%arg14 : memref<!tpu.dma_semaphore, #tpu.memory_space<semaphore_mem>>) src(%arg9 : memref<256xf32, #tpu.memory_space<vmem>>) dst(%dma_wait3A_299 : memref<256xf32, #tpu.memory_space<hbm>>)
    return
  }
}

</mosaic_0001>

<sc_bundles>
// kernel: kernel.3.cloned.1.call-start
scs
__scs_entry_jumppad:
0x0: {  	(pc) =	sbr.rel $0x88, $3  }
0x1: {  	(tag) =	ssettag $0x0;
	lr =	simm.s32 $0x1  }
0x2: {  	[smem:$0x3FA0] =	sst lr;
	_ =	strace $0xD0000000  }
0x3: {  	_ = 	snop  }
0x4: {  	_ = 	snop  }
0x5: {  	_ = 	snop  }
0x6: {  	_ = 	snop  }
0x7: {  	_ = 	snop  }
__scs_overlays_trampoline_lowered:
0x8: {  	[smem:$0x3FAF] =	sst s0  }
0x9: {  	[smem:$0x3FB0] =	sst s1  }
0xa: {  	[smem:$0x3FB1] =	sst s2  }
0xb: {  	[smem:$0x3FB2] =	sst s3  }
0xc: {  	[smem:$0x3FB3] =	sst s4  }
0xd: {  	[smem:$0x3FB4] =	sst s5  }
0xe: {  	[smem:$0x3FB5] =	sst s6  }
0xf: {  	[smem:$0x3FB6] =	sst s7  }
0x10: {  	[smem:$0x3FB7] =	sst s8  }
0x11: {  	[smem:$0x3FB8] =	sst s9;
	s0 =	simm.s32 @!p0 $0x0  }
0x12: {  	s1 =	sld [smem:$0x3F9E];
	s0 =	simm.s32 @p0 $0x1  }
0x13: {  	[smem:$0x3FB9] =	sst s0;
	s0 =	simm.s32 @!p1 $0x0  }
0x14: {  	s2 =	sld [smem:$0x3F9D];
	s0 =	simm.s32 @p1 $0x1  }
0x15: {  	[smem:$0x3FBA] =	sst s0;
	s0 =	simm.s32 @!p2 $0x0  }
0x16: {  	s3 =	sld [smem:$0x3FDB];
	s0 =	simm.s32 @p2 $0x1  }
0x17: {  	s4 =	simm.s32 $0x1BF5;
	[smem:$0x3FBC] =	sst s0  }
0x18: {  	s0 =	sld [smem:$0x3F9F];
	_ =	swait.ge [sflag:s4], $0x0  }
0x19: {  	s7 =	sld [smem:$0x3FA0]  }
0x1a: {  	s8 =	sadd.s32 $0xFFFFE003, lr  }
0x1b: {  	s9 =	sadd.s32 $0xFFFFFEF7, lr;
	s5 =	simm.s32 $0xFFFFFFFF;
	p2 =	slt.u32 s8, $0xFFFFF086  }
0x1c: {  	p1 =	slt.u32 s9, $0xF7A;
	s5 =	simm.s32 @!p2 $0x0  }
0x1d: {  	s5 =	simm.s32 @p1 $0x1;
	p0 =	seq.s32 s7, s2  }
0x1e: {  	s7 =	smul.u32 @!p0 $0xF7A, s2;
	p2 =	seq.s32 @!p0 s5, $0x0  }
0x1f: {  	s9 =	smul.u32 $0xF7A, s1;
	s8 =	simm.s32 @!p0 $0x1BF5;
	p2 =	por !p2, p0  }
0x20: {  	[sflag:s8] =	ssyncset.s32 @!p0 $0xFFFFF086;
	s6 =	sadd.s32 @!p0 s3, s7;
	s7 =	simm.s32 @!p0 $0x108  }
0x21: {  	s3 =	sadd.s32 s3, s9;
	s6 =	sadd.s32 @!p0 $0x88, s6;
	s7 =	simm.s32 @p2 $0x1082  }
0x22: {  	[simem:s7], [sflag:s8] =	dma.local @!p0 [hbm:s6], $0xF7A  }
0x23: {  	s9 =	sor.u32 $0xD0000000, s2;
	s6 =	simm.s32 $0x108;
	_ =	swait.ge @!p0 [sflag:s8], $0x0  }
0x24: {  	s3 =	sadd.s32 $0x88, s3;
	s6 =	simm.s32 @!p1 $0x1082;
	[sflag:s4] =	ssyncset.s32 $0xFFFFF086  }
0x25: {  	[simem:s6], [sflag:s4] =	dma.local [hbm:s3], $0xF7A  }
0x26: {  	[smem:$0x3FA0] =	sst s1;
	(tag) =	ssettag s2;
	_ =	strace s9  }
0x27: {  	s1 =	sld [smem:$0x3FB0]  }
0x28: {  	s2 =	sld [smem:$0x3FB1]  }
0x29: {  	s4 =	sld [smem:$0x3FB3]  }
0x2a: {  	p0 =	seq.s32 s5, $0x0;
	s5 =	sld [smem:$0x3FB4]  }
0x2b: {  	s6 =	sld [smem:$0x3FB5]  }
0x2c: {  	s7 =	sld [smem:$0x3FB6]  }
0x2d: {  	s3 =	simm.s32 $0x108;
	s8 =	sld [smem:$0x3FB7]  }
0x2e: {  	s3 =	simm.s32 @!p0 $0x1082;
	s9 =	sld [smem:$0x3FB8]  }
0x2f: {  	lr =	sadd.s32 s0, s3;
	s0 =	sld [smem:$0x3FAF]  }
0x30: {  	s3 =	sld [smem:$0x3FB2]  }
0x31: {  	[smem:$0x3FBB] =	sst s10  }
0x32: {  	s10 =	sld [smem:$0x3FB9];
	_ =	sdelay $0x3  }
0x33: {  	p0 =	seq.s32 s10, $0x1;
	s10 =	sld [smem:$0x3FBB];
	_ =	sdelay $0x3  }
0x34: {  	[smem:$0x3FBB] =	sst s10  }
0x35: {  	s10 =	sld [smem:$0x3FBA];
	_ =	sdelay $0x3  }
0x36: {  	p1 =	seq.s32 s10, $0x1;
	s10 =	sld [smem:$0x3FBB];
	_ =	sdelay $0x3  }
0x37: {  	[smem:$0x3FBB] =	sst s10  }
0x38: {  	s10 =	sld [smem:$0x3FBC]  }
0x39: {  	_ = 	snop;
	(pc) =	sbr.ind lr, $3  }
0x3a: {  	_ = 	snop  }
0x3b: {  	_ = 	snop  }
0x3c: {  	p2 =	seq.s32 s10, $0x1;
	s10 =	sld [smem:$0x3FBB]  }
0x3d: {  	_ =	shalt  }
0x3e: {  	_ =	shalt  }
0x3f: {  	_ =	shalt  }
0x40: {  	_ =	shalt  }
0x41: {  	_ =	shalt  }
0x42: {  	_ =	shalt  }
0x43: {  	_ =	shalt  }
0x44: {  	_ =	shalt  }
0x45: {  	_ =	shalt  }
0x46: {  	_ =	shalt  }
0x47: {  	_ =	shalt  }
0x48: {  	_ =	shalt  }
0x49: {  	_ =	shalt  }
0x4a: {  	_ =	shalt  }
0x4b: {  	_ =	shalt  }
0x4c: {  	_ =	shalt  }
0x4d: {  	_ =	shalt  }
0x4e: {  	_ =	shalt  }
0x4f: {  	_ =	shalt  }
0x50: {  	_ =	shalt  }
0x51: {  	_ =	shalt  }
0x52: {  	_ =	shalt  }
0x53: {  	_ =	shalt  }
0x54: {  	_ =	shalt  }
0x55: {  	_ =	shalt  }
0x56: {  	_ =	shalt  }
0x57: {  	_ =	shalt  }
0x58: {  	_ =	shalt  }
0x59: {  	_ =	shalt  }
0x5a: {  	_ =	shalt  }
0x5b: {  	_ =	shalt  }
0x5c: {  	_ =	shalt  }
0x5d: {  	_ =	shalt  }
0x5e: {  	_ =	shalt  }
0x5f: {  	_ =	shalt  }
0x60: {  	_ =	shalt  }
0x61: {  	_ =	shalt  }
0x62: {  	_ =	shalt  }
0x63: {  	_ =	shalt  }
0x64: {  	_ =	shalt  }
0x65: {  	_ =	shalt  }
0x66: {  	_ =	shalt  }
0x67: {  	_ =	shalt  }
0x68: {  	_ =	shalt  }
0x69: {  	_ =	shalt  }
0x6a: {  	_ =	shalt  }
0x6b: {  	_ =	shalt  }
0x6c: {  	_ =	shalt  }
0x6d: {  	_ =	shalt  }
0x6e: {  	_ =	shalt  }
0x6f: {  	_ =	shalt  }
0x70: {  	_ =	shalt  }
0x71: {  	_ =	shalt  }
0x72: {  	_ =	shalt  }
0x73: {  	_ =	shalt  }
0x74: {  	_ =	shalt  }
0x75: {  	_ =	shalt  }
0x76: {  	_ =	shalt  }
0x77: {  	_ =	shalt  }
0x78: {  	_ =	shalt  }
0x79: {  	_ =	shalt  }
0x7a: {  	_ =	shalt  }
0x7b: {  	_ =	shalt  }
0x7c: {  	_ =	shalt  }
0x7d: {  	_ =	shalt  }
0x7e: {  	_ =	shalt  }
0x7f: {  	_ =	shalt  }
0x80: {  	_ =	shalt  }
0x81: {  	_ =	shalt  }
0x82: {  	_ =	shalt  }
0x83: {  	_ =	shalt  }
0x84: {  	_ =	shalt  }
0x85: {  	_ =	shalt  }
0x86: {  	_ =	shalt  }
0x87: {  	_ =	shalt  }
.Lfunc_end0:
.L_simem_size_0:
called_computation_lowered:
.L_overlay_start_0:
0x88: {  	s2 =	sld [smem:$0x3FD9]  }
0x89: {  	s3 =	sld [smem:$0x3FFE];
	_ =	sdelay $0x1  }
0x8a: {  	s1 =	srdreg.scid  }
0x8b: {  	s0 =	sand.u32 $0x1, s1  }
0x8c: {  	s14 =	sshll.u32 s0, $0xA;
	s2 =	sadd.s32 s3, s2  }
0x8d: {  	s2 =	sadd.s32 s2, s14  }
0x8e: {  	[smem:$0x3FC7] =	sst s2  }
0x8f: {  	_ = 	snop  }
0x90: {  	s2 =	sld [smem:$0x3FD0];
	_ =	sdelay $0x2  }
0x91: {  	s15 =	simm.s32 $0xA;
	s4 =	simm.s32 $0x10  }
0x92: {  	[smem:s4], [sflag:s15] =	dma.local [hbm:s2], $0x1  }
0x93: {  	_ =	swait.eq [sflag:s15], $0x1  }
0x94: {  	[sflag:s15] =	ssyncset.done $0x0  }
0x95: {  	s16 =	sld [smem:$0x10];
	[sflag:s15] =	ssyncadd.s32 $0xFFFFFFFF  }
0x96: {  	s17 =	sld [smem:$0x12];
	(tm) =	ssettm $0x1  }
0x97: {  	s18 =	sld [smem:$0x3FFB];
	_ =	sdelay $0x3  }
0x98: {  	_ =	strace s18  }
0x99: {  	s4 =	sld [smem:$0x3FFC];
	_ =	sdelay $0x3  }
0x9a: {  	_ =	strace s4  }
0x9b: {  	s4 =	sld [smem:$0x3FFD];
	_ =	sdelay $0x3  }
0x9c: {  	_ =	strace s4  }
0x9d: {  	_ =	strace $0x8FFFFFFF  }
0x9e: {  	s19 =	sld [smem:$0x3FDB];
	_ =	sdelay $0x1  }
0x9f: {  	s5 =	simm.s32 $_scs_section_size  }
0xa0: {  	s6 =	simm.s32 $_size__tile_overlayer_lowered;
	s7 =	simm.s32 $_tile_overlayer_lowered  }
0xa1: {  	s22 =	simm.s32 $0x1BFF;
	s21 =	sshll.u32 s7, $0x1;
	s4 =	sadd.s32 s5, s19  }
0xa2: {  	s8 =	simm.s32 $0x0;
	s20 =	sshll.u32 s6, $0x1;
	s6 =	sadd.s32 s21, s4  }
0xa3: {  	[timem:s8], [sflag:s22] =	dma.local [hbm:s6], s20  }
0xa4: {  	_ =	swait.ge [sflag:s22], s20  }
0xa5: {  	s5 =	ssub.s32 $0x0, s20;
	[sflag:s22] =	ssyncset.done $0x0  }
0xa6: {  	[sflag:s22] =	ssyncadd.s32 s5;
	_ =	sdelay $0x1  }
0xa7: {  	s23 =	simm.s32 $0x1B8B  }
0xa8: {  	_ =	swait.ge [sflag:s23], $0x1  }
0xa9: {  	[sflag:s23] =	ssyncset.done $0x0  }
0xaa: {  	s25 =	simm.s32 $0x1B8E;
	s24 =	sld [smem:$0x3FFE];
	[sflag:s23] =	ssyncadd.s32 $0xFFFFFFFF  }
0xab: {  	s26 =	simm.s32 $execute0_lowered;
	[smem:$0x3FD2] =	sst s25  }
0xac: {  	s6 =	sshll.u32 s26, $0x1;
	_ =	strace $0x80000046;
	[dreg:$0x1] =	wrdreg $0xFFFFFFFF  }
0xad: {  	s28 =	simm.s32 $_size_execute0_lowered;
	s4 =	sadd.s32 s4, s6;
	[dreg:$0x0] =	wrdreg $0x0  }
0xae: {  	s6 =	sshll.u32 s28, $0x1;
	[dreg:$0x2] =	wrdreg s4  }
0xaf: {  	[dreg:$0x3] =	wrdreg s6  }
0xb0: {  	[dreg:$0x4] =	wrdreg $0xC0  }
0xb1: {  	_ =	task [dreg:s8], $0x5FFFF  }
0xb2: {  	[dreg:$0x1] =	wrdreg $0xFFFFFFFF  }
0xb3: {  	[dreg:$0x0] =	wrdreg $0x60  }
0xb4: {  	[dreg:$0x2] =	wrdreg s24  }
0xb5: {  	[dreg:$0x3] =	wrdreg s16  }
0xb6: {  	[dreg:$0x4] =	wrdreg s17  }
0xb7: {  	[dreg:$0x5] =	wrdreg $0x9  }
0xb8: {  	_ =	task.clear_ibuf [dreg:s8], $0x6FFFF;
	_ =	strace $0x90000046  }
0xb9: {  	s29 =	simm.s32 $0x9;
	_ =	strace $0x80000048  }
0xba: {  	_ =	swait.ge [sflag:s29], $0x1  }
0xbb: {  	[sflag:s29] =	ssyncadd.s32 $0xFFFFFFFF  }
0xbc: {  	_ =	strace $0x90000048  }
0xbd: {  	_ =	sfence  }
0xbe: {  	s30 =	sld [smem:$0x0];
	_ =	sdelay $0x2  }
0xbf: {  	s31 =	sshll.u32 s1, $0xD;
	s1 =	sshrl.u32 s1, $0x2  }
0xc0: {  	s3 =	sand.u32 $0x4000, s31;
	s1 =	sadd.s32 s1, s30  }
0xc1: {  	s0 =	sor.u32 s3, s0;
	s1 =	sshll.u32 s1, $0x11  }
0xc2: {  	s0 =	sor.u32 s1, s0  }
0xc3: {  	s0 =	sadd.s32 $0x8F2B, s0  }
0xc4: {  	[sflag:s0] =	ssyncadd.remote.s32 $0x1  }
0xc5: {  	_ =	sfence.sel $0xFFFF  }
0xc6: {  	[dreg:$0x0] =	wrdreg $0xFFFFFFFF;
	(pc) =	sbr.abs _section_cstart, $3  }
0xc7: {  	[dreg:$0x1] =	wrdreg $0xFFFFFFFF  }
0xc8: {  	_ =	task.clear_ibuf [dreg:s8], $0x2FFFF;
	_ =	strace $0x9FFFFFFF  }
0xc9: {  	(tm) =	ssettm $0x7FFFFFFF  }
tec
execute0_lowered:
.L_overlay_start_1:
0x0: {  	(tag) =	ssettag $0x1  }
0x1: {  	s1 =	srdreg.scid  }
0x2: {  	s0 =	stileid.u32;
	s4 =	sand.u32 $0x1, s1  }
0x3: {  	s30 =	sshll.u32 s0, $0x9;
	s2 =	sshll.u32 s4, $0x8  }
0x4: {  	s1 =	sor.u32 s2, s30  }
0x5: {  	s2 =	smax.u32 s1, $0x8  }
0x6: {  	s5 =	sadd.s32 $0xFFFFFFF8, s2  }
0x7: {  	s2 =	ssub.s32 s1, s5  }
0x8: {  	v28 =	vimm.s32 $0xEDCBA987;
	v29 =	vimm.s32 $0x6543210F;
	p0 =	sgt.s32 s2, $0x1  }
0x9: {  	v30 =	vimm.s32 $0x8;
	v32 =	vunpack.c.l.s4.s8 v28;
	v33 =	vunpack.c.l.s4.s8 v29;
	s2 =	simm.s32 @!p0 $0x1  }
0xa: {  	s6 =	rddreg [dreg:$0x0];
	v31 =	vlaneseq.u32;
	v35 =	vimm.s32 $0xF;
	vm0 =	vmmov $0x1;
	s2 =	sshll.u32 s2, $0x7  }
0xb: {  	s7 =	rddreg [dreg:$0x1];
	v29 =	vimm.s32 $0x0;
	v36 =	vunpack.c.0.s8.s32 v32;
	v37 =	vunpack.c.0.s8.s32 v33;
	s2 =	sadd.s32 $0xFFFFFF80, s2  }
0xc: {  	s8 =	rddreg [dreg:$0x2];
	v34 =	vmul.u32 $0x80, v31;
	v32 =	vimm.s32 $0x10;
	v0 =	vmov s2  }
0xd: {  	s3 =	simm.s32 $0x0;
	s13 =	simm.s32 $0x4400;
	s14 =	simm.s32 $0x1;
	v33 =	vimm.s32 $0x17;
	v36 =	vcombine.low v37, v36;
	v1 =	vor.u32 $0x1, v0  }
0xe: {  	s15 =	simm.s32 $0x2;
	s16 =	simm.s32 $0x8400;
	s17 =	simm.s32 $0x8500;
	v5 =	vor.u32 $0x5, v0;
	v6 =	vor.u32 $0x6, v0;
	v7 =	vor.u32 $0x7, v0  }
0xf: {  	s18 =	simm.s32 $0x8600;
	s19 =	simm.s32 $0x3;
	s20 =	simm.s32 $0x4;
	v8 =	vor.u32 $0x8, v0;
	v9 =	vor.u32 $0x9, v0;
	v10 =	vor.u32 $0xA, v0  }
0x10: {  	s21 =	simm.s32 $0x5;
	s22 =	simm.s32 $0x0;
	s31 =	ssub.s32 $0x2, s4;
	v11 =	vor.u32 $0xB, v0;
	v12 =	vor.u32 $0xC, v0;
	v13 =	vor.u32 $0xD, v0  }
0x11: {  	[smem:$0x7FF] =	sst s3;
	s11 =	sshrl.u32 s31, $0x1;
	s9 =	sshrl.u32 s1, $0x3;
	v14 =	vor.u32 $0xE, v0;
	v15 =	vor.u32 $0xF, v0;
	v16 =	vor.u32 $0x10, v0  }
0x12: {  	s11 =	ssub.s32 s31, s11;
	s10 =	sadd.s32 s9, s6;
	s5 =	sshll.u32 s5, $0x4;
	v17 =	vor.u32 $0x11, v0;
	v18 =	vor.u32 $0x12, v0;
	[tilespmem:$0x1FFC0] =	vst v1;
	v1 =	vor.u32 $0x2, v0  }
0x13: {  	s8 =	sadd.s32 s8, s9;
	s5 =	sadd.s32 s5, s6;
	s6 =	sadd.s32 s7, s9;
	v19 =	vor.u32 $0x13, v0;
	v20 =	vor.u32 $0x14, v0;
	[tilespmem:$0x1FFD0] =	vst v1;
	v1 =	vor.u32 $0x3, v0  }
0x14: {  	s7 =	sadd.s32 $0x20800, s10;
	s9 =	smax.u32 s11, $0x1;
	s10 =	smin.u32 s1, $0x8;
	v21 =	vor.u32 $0x15, v0;
	v22 =	vor.u32 $0x16, v0;
	[tilespmem:$0x1FFE0] =	vst v1;
	v1 =	vor.u32 $0x4, v0  }
0x15: {  	s11 =	sor.u32 $0x80, s1;
	s4 =	sadd.s32 $0x800, s5;
	s5 =	sadd.s32 $0x1080, s5;
	v23 =	vor.u32 $0x17, v0;
	v24 =	vor.u32 $0x18, v0;
	v25 =	vor.u32 $0x19, v0;
	[tilespmem:$0x1FFF0] =	vst v1  }
0x16: {  	s12 =	sor.u32 $0x80, s10;
	s2 =	rddreg [dreg:$0x3];
	v26 =	vor.u32 $0x1A, v0;
	v27 =	vor.u32 $0x1B, v0;
	v28 =	vor.u32 $0x1C, v0;
	_ =	strace $0x80000047  }
.LBB2_1:
0x17: {  	[tilespmem:s3], [sflag:$0x1] =	stream.linear.gather [hbm4b:s4+s3], $0x4400, $0x38;
	[tilespmem:$0x8700] =	vst v63  }
0x18: {  	_ = 	snop  }
0x19: {  	[tilespmem:s13], [sflag:$0x2] =	stream.linear.gather [hbm4b:s5+s3], $0x4000, $0x38;
	[tilespmem:$0x8700] =	vst v63  }
0x1a: {  	_ =	swait.ge [sflag:s14], $0x4400  }
0x1b: {  	v1 =	vld [tilespmem:$0x1FFC0];
	_ =	sdelay $0x5  }
0x1c: {  	[sflag:s14] =	ssyncset.done $0x0  }
0x1d: {  	[sflag:s14] =	ssyncadd.s32 $0xFFFFBC00  }
0x1e: {  	v38 =	vld.idx.msk [tilespmem:v1+s3+$0x0], $0xffff  }
0x1f: {  	v1 =	vld [tilespmem:$0x1FFD0];
	_ =	sdelay $0x7  }
0x20: {  	v39 =	vld.idx.msk [tilespmem:v1+s3+$0x0], $0xffff  }
0x21: {  	v1 =	vld [tilespmem:$0x1FFE0];
	_ =	sdelay $0x6  }
0x22: {  	v37 =	vld.idx.msk [tilespmem:v0+s3+$0x0], $0xffff  }
0x23: {  	v42 =	vld.idx.msk [tilespmem:v1+s3+$0x0], $0xffff  }
0x24: {  	v1 =	vld [tilespmem:$0x1FFF0]  }
0x25: {  	v40 =	vld.idx.msk [tilespmem:v8+s3+$0x0], $0xffff  }
0x26: {  	v41 =	vld.idx.msk [tilespmem:v9+s3+$0x0], $0xffff;
	_ =	sdelay $0x1  }
0x27: {  	v43 =	vld.idx.msk [tilespmem:v10+s3+$0x0], $0xffff;
	_ =	sdelay $0x1  }
0x28: {  	v44 =	vld.idx.msk [tilespmem:v11+s3+$0x0], $0xffff  }
0x29: {  	v56 =	vld.idx.msk [tilespmem:v5+s3+$0x0], $0xffff;
	vm3 =	vgt.f32 v41, v40;
	vm1 =	vgt.f32 v38, v37  }
0x2a: {  	v40 =	vsel vm3, v41, v40;
	v37 =	vsel vm1, v38, v37;
	v55 =	vld.idx.msk [tilespmem:v1+s3+$0x0], $0xffff  }
0x2b: {  	v57 =	vld.idx.msk [tilespmem:v12+s3+$0x0], $0xffff;
	vm5 =	vgt.f32 v43, v40;
	vm2 =	vgt.f32 v39, v37  }
0x2c: {  	v58 =	vld.idx.msk [tilespmem:v6+s3+$0x0], $0xffff;
	v40 =	vsel vm5, v43, v40;
	v45 =	vsel vm1, $0x1, v29;
	v37 =	vsel vm2, v39, v37  }
0x2d: {  	v59 =	vld.idx.msk [tilespmem:v13+s3+$0x0], $0xffff;
	v45 =	vsel vm2, $0x2, v45;
	vm2 =	vgt.f32 v44, v40;
	vm4 =	vgt.f32 v42, v37  }
0x2e: {  	v60 =	vld.idx.msk [tilespmem:v7+s3+$0x0], $0xffff;
	v48 =	vsel vm3, $0x9, v30;
	v40 =	vsel vm2, v44, v40;
	v37 =	vsel vm4, v42, v37  }
0x2f: {  	v61 =	vld.idx.msk [tilespmem:v14+s3+$0x0], $0xffff;
	v45 =	vsel vm4, $0x3, v45;
	v42 =	vsel vm5, $0xA, v48;
	vm1 =	vgt.f32 v55, v37  }
0x30: {  	v63 =	vld.idx.msk [tilespmem:v16+s3+$0x0], $0xffff;
	v37 =	vsel vm1, v55, v37;
	v45 =	vsel vm1, $0x4, v45;
	vm1 =	vgt.f32 v57, v40  }
0x31: {  	v46 =	vld.idx.msk [tilespmem:v17+s3+$0x0], $0xffff;
	v42 =	vsel vm2, $0xB, v42;
	vm4 =	vgt.f32 v56, v37;
	v40 =	vsel vm1, v57, v40  }
0x32: {  	v50 =	vsel vm1, $0xC, v42;
	v37 =	vsel vm4, v56, v37;
	vm3 =	vgt.f32 v59, v40  }
0x33: {  	v62 =	vld.idx.msk [tilespmem:v15+s3+$0x0], $0xffff;
	v45 =	vsel vm4, $0x5, v45;
	vm4 =	vgt.f32 v58, v37;
	v40 =	vsel vm3, v59, v40  }
0x34: {  	v38 =	vsel vm3, $0xD, v50;
	v37 =	vsel vm4, v58, v37;
	v45 =	vsel vm4, $0x6, v45  }
0x35: {  	v49 =	vld.idx.msk [tilespmem:v18+s3+$0x0], $0xffff;
	vm2 =	vgt.f32 v61, v40;
	v58 =	vmov s10;
	vm4 =	vgt.f32 v60, v37  }
0x36: {  	v51 =	vld.idx.msk [tilespmem:v19+s3+$0x0], $0xffff;
	v40 =	vsel vm2, v61, v40;
	v38 =	vsel vm2, $0xE, v38;
	vm2 =	vgt.f32 v46, v63  }
0x37: {  	v53 =	vld.idx.msk [tilespmem:v20+s3+$0x0], $0xffff;
	v44 =	vshll.u32 v58, $0x7;
	v37 =	vsel vm4, v60, v37;
	v52 =	vsel vm4, $0x7, v45  }
0x38: {  	v54 =	vld.idx.msk [tilespmem:v23+s3+$0x0], $0xffff;
	vm1 =	vgt.f32 v62, v40;
	v41 =	vsel vm2, v46, v63;
	v56 =	vsel vm2, $0x11, v32  }
0x39: {  	v55 =	vld.idx.msk [tilespmem:v24+s3+$0x0], $0xffff;
	v44 =	vadd.s32 v34, v44;
	v39 =	vsel vm1, v62, v40;
	v38 =	vsel vm1, $0xF, v38  }
0x3a: {  	v47 =	vld.idx.msk [tilespmem:v21+s3+$0x0], $0xffff;
	v61 =	vor.u32 $0x2, v44;
	v50 =	vor.u32 $0x18, v44;
	vm1 =	vgt.f32 v39, v37  }
0x3b: {  	v48 =	vld.idx.msk [tilespmem:v22+s3+$0x0], $0xffff;
	v37 =	vsel vm1, v39, v37;
	v38 =	vsel vm1, v38, v52;
	vm1 =	vgt.f32 v49, v41  }
0x3c: {  	v57 =	vld.idx.msk [tilespmem:v25+s3+$0x0], $0xffff;
	v63 =	vor.u32 $0x17, v44;
	v58 =	vor.u32 $0x10, v44;
	v41 =	vsel vm1, v49, v41  }
0x3d: {  	v59 =	vld.idx.msk [tilespmem:v26+s3+$0x0], $0xffff;
	v39 =	vsel vm1, $0x12, v56;
	v49 =	vor.u32 $0x1, v44;
	vm1 =	vgt.f32 v51, v41  }
0x3e: {  	v60 =	vld.idx.msk [tilespmem:v27+s3+$0x0], $0xffff;
	v41 =	vsel vm1, v51, v41;
	v39 =	vsel vm1, $0x13, v39;
	vm1 =	vgt.f32 v55, v54  }
0x3f: {  	v51 =	vor.u32 $0x19, v44;
	v46 =	vld.idx.msk [tilespmem:v61+s3+$0x0], $0xffff;
	v61 =	vor.u32 $0x1A, v44;
	vm2 =	vgt.f32 v53, v41  }
0x40: {  	v62 =	vld.idx.msk [tilespmem:v28+s3+$0x0], $0xffff;
	v40 =	vsel vm1, v55, v54;
	v54 =	vsel vm1, $0x18, v33;
	v55 =	vor.u32 $0x8, v44  }
0x41: {  	v52 =	vld.idx.msk [tilespmem:v44+s3+$0x0], $0xffff;
	v41 =	vsel vm2, v53, v41;
	v39 =	vsel vm2, $0x14, v39;
	vm2 =	vgt.f32 v57, v40  }
0x42: {  	v45 =	vld.idx.msk [tilespmem:v50+s3+$0x0], $0xffff;
	v53 =	vor.u32 $0x3, v44;
	vm3 =	vgt.f32 v47, v41;
	v40 =	vsel vm2, v57, v40  }
0x43: {  	v57 =	vor.u32 $0x4, v44;
	v49 =	vld.idx.msk [tilespmem:v49+s3+$0x0], $0xffff;
	v54 =	vsel vm2, $0x19, v54;
	v41 =	vsel vm3, v47, v41  }
0x44: {  	vm4 =	vgt.f32 v59, v40;
	v39 =	vsel vm3, $0x15, v39;
	v47 =	vld.idx.msk [tilespmem:v63+s3+$0x0], $0xffff;
	v63 =	vor.u32 $0x12, v44  }
0x45: {  	v40 =	vsel vm4, v59, v40;
	vm3 =	vgt.f32 v48, v41;
	v59 =	vor.u32 $0x11, v44;
	v51 =	vld.idx.msk [tilespmem:v51+s3+$0x0], $0xffff  }
0x46: {  	v54 =	vsel vm4, $0x1A, v54;
	vm5 =	vgt.f32 v60, v40;
	v41 =	vsel vm3, v48, v41;
	v48 =	vld.idx.msk [tilespmem:v58+s3+$0x0], $0xffff  }
0x47: {  	v39 =	vsel vm3, $0x16, v39;
	v40 =	vsel vm5, v60, v40;
	v60 =	vor.u32 $0x9, v44;
	v53 =	vld.idx.msk [tilespmem:v53+s3+$0x0], $0xffff  }
0x48: {  	v54 =	vsel vm5, $0x1B, v54;
	vm3 =	vgt.f32 v62, v40;
	v42 =	vld.idx.msk [tilespmem:v57+s3+$0x0], $0xffff;
	vm2 =	vgt.f32 v49, v52  }
0x49: {  	v57 =	vor.u32 $0x5, v44;
	v40 =	vsel vm3, v62, v40;
	v62 =	vsel vm3, $0x1C, v54;
	v54 =	vld.idx.msk [tilespmem:v63+s3+$0x0], $0xffff  }
0x4a: {  	v58 =	vor.u32 $0xB, v44;
	v49 =	vsel vm2, v49, v52;
	vm1 =	vgt.f32 v40, v41;
	v50 =	vld.idx.msk [tilespmem:v59+s3+$0x0], $0xffff  }
0x4b: {  	v63 =	vor.u32 $0x6, v44;
	v40 =	vsel vm1, v40, v41;
	v41 =	vld.idx.msk [tilespmem:v61+s3+$0x0], $0xffff;
	v61 =	vor.u32 $0x1B, v44  }
0x4c: {  	vm3 =	vgt.f32 v46, v49;
	v59 =	vld.idx.msk [tilespmem:v55+s3+$0x0], $0xffff;
	vm4 =	vgt.f32 v40, v37;
	v40 =	vor.u32 $0xA, v44  }
0x4d: {  	v46 =	vsel vm3, v46, v49;
	v37 =	vsel vm1, v62, v39;
	v43 =	vld.idx.msk [tilespmem:v60+s3+$0x0], $0xffff;
	v60 =	vor.u32 $0x13, v44  }
0x4e: {  	v62 =	vor.u32 $0xC, v44;
	vm5 =	vgt.f32 v53, v46;
	v37 =	vsel vm4, v37, v38;
	v39 =	vld.idx.msk [tilespmem:v57+s3+$0x0], $0xffff  }
0x4f: {  	vm4 =	vgt.f32 v45, v47;
	v46 =	vsel vm5, v53, v46;
	v38 =	vld.idx.msk [tilespmem:v58+s3+$0x0], $0xffff;
	v57 =	vor.u32 $0xD, v44  }
0x50: {  	v58 =	vor.u32 $0x14, v44;
	v53 =	vor.u32 $0x16, v44;
	v45 =	vsel vm4, v45, v47;
	v49 =	vld.idx.msk [tilespmem:v61+s3+$0x0], $0xffff  }
0x51: {  	vm12 =	vgt.f32 v42, v46;
	vm9 =	vgt.f32 v51, v45;
	vm6 =	vgt.f32 v50, v48;
	v40 =	vld.idx.msk [tilespmem:v40+s3+$0x0], $0xffff  }
0x52: {  	v42 =	vsel vm12, v42, v46;
	v45 =	vsel vm9, v51, v45;
	v48 =	vsel vm6, v50, v48;
	v56 =	vld.idx.msk [tilespmem:v60+s3+$0x0], $0xffff  }
0x53: {  	v50 =	vld.idx.msk [tilespmem:v63+s3+$0x0], $0xffff;
	v61 =	vsel vm2, $0x1, v29;
	v63 =	vsel vm4, $0x18, v33;
	vm7 =	vgt.f32 v43, v59  }
0x54: {  	vm11 =	vgt.f32 v41, v45;
	v43 =	vsel vm7, v43, v59;
	v59 =	vor.u32 $0x1C, v44  }
0x55: {  	vm13 =	vgt.f32 v54, v48;
	v60 =	vor.u32 $0x15, v44;
	v41 =	vsel vm11, v41, v45  }
0x56: {  	v47 =	vld.idx.msk [tilespmem:v62+s3+$0x0], $0xffff;
	v48 =	vsel vm13, v54, v48;
	vm10 =	vgt.f32 v39, v42;
	vm8 =	vgt.f32 v40, v43  }
0x57: {  	v62 =	vld.idx.msk [tilespmem:v57+s3+$0x0], $0xffff;
	v39 =	vsel vm10, v39, v42;
	vm14 =	vgt.f32 v56, v48;
	v40 =	vsel vm8, v40, v43  }
0x58: {  	v42 =	vor.u32 $0xE, v44;
	v46 =	vsel vm14, v56, v48;
	v43 =	vld.idx.msk [tilespmem:v58+s3+$0x0], $0xffff;
	vm1 =	vgt.f32 v38, v40  }
0x59: {  	v51 =	vld.idx.msk [tilespmem:v59+s3+$0x0], $0xffff;
	v58 =	vsel vm9, $0x19, v63;
	v59 =	vor.u32 $0x7, v44;
	v38 =	vsel vm1, v38, v40  }
0x5a: {  	v40 =	vsel vm3, $0x2, v61;
	vm3 =	vgt.f32 v49, v41;
	v61 =	vsel vm6, $0x11, v32  }
0x5b: {  	vm2 =	vgt.f32 v47, v38;
	v40 =	vsel vm5, $0x3, v40;
	vm5 =	vgt.f32 v50, v39  }
0x5c: {  	v57 =	vsel vm12, $0x4, v40;
	v40 =	vsel vm5, v50, v39;
	v39 =	vld.idx.msk [tilespmem:v60+s3+$0x0], $0xffff;
	v60 =	vor.u32 $0xF, v44  }
0x5d: {  	v45 =	vld.idx.msk [tilespmem:v42+s3+$0x0], $0xffff;
	v49 =	vsel vm3, v49, v41;
	v41 =	vsel vm11, $0x1A, v58;
	v38 =	vsel vm2, v47, v38  }
0x5e: {  	vm4 =	vgt.f32 v62, v38;
	vm6 =	vgt.f32 v43, v46;
	vm9 =	vgt.f32 v51, v49  }
0x5f: {  	v42 =	vld.idx.msk [tilespmem:v53+s3+$0x0], $0xffff;
	v48 =	vsel vm4, v62, v38;
	v38 =	vsel vm13, $0x12, v61;
	v47 =	vsel vm6, v43, v46  }
0x60: {  	v44 =	vld.idx.msk [tilespmem:v59+s3+$0x0], $0xffff;
	v62 =	vsel vm7, $0x9, v30;
	v43 =	vsel vm9, v51, v49;
	v51 =	vsel vm10, $0x5, v57  }
0x61: {  	s24 =	simm.s32 $0x40;
	v63 =	vsel vm14, $0x13, v38;
	v38 =	vmov s1;
	v49 =	vsel vm8, $0xA, v62;
	v46 =	vld.idx.msk [tilespmem:v60+s3+$0x0], $0xffff  }
0x62: {  	s25 =	smov.u32 s1;
	s26 =	smov.u32 s10;
	s23 =	simm.s32 $0x0;
	v50 =	vsel vm6, $0x14, v63;
	vm6 =	vgt.f32 v45, v48;
	vm7 =	vgt.f32 v39, v47  }
.LBB2_2:
0x63: {  	p0 =	sne.s32 s24, $0x1C0;
	v51 =	vsel vm5, $0x6, v51;
	v45 =	vsel vm6, v45, v48;
	v41 =	vsel vm3, $0x1B, v41;
	s25 =	sadd.s32 $0x10, s25;
	s26 =	sadd.s32 $0x10, s26  }
0x64: {  	v48 =	vsel vm1, $0xB, v49;
	v49 =	vsel vm7, $0x15, v50;
	s28 =	smov.u32 s24;
	s24 =	sadd.s32 $0x40, s24;
	v41 =	vsel vm9, $0x1C, v41  }
0x65: {  	v39 =	vsel vm7, v39, v47;
	vm1 =	vgt.f32 v44, v40;
	v48 =	vsel vm2, $0xC, v48  }
0x66: {  	vm3 =	vgt.f32 v42, v39;
	v47 =	vsel vm4, $0xD, v48;
	vm2 =	vgt.f32 v46, v45  }
0x67: {  	v40 =	vsel vm1, v44, v40;
	v44 =	vsel vm2, v46, v45;
	v45 =	vsel vm3, $0x16, v49  }
0x68: {  	v39 =	vsel vm3, v42, v39;
	v46 =	vsel vm6, $0xE, v47;
	vm4 =	vgt.f32 v44, v40  }
0x69: {  	v42 =	vsel vm1, $0x7, v51;
	vm1 =	vgt.f32 v43, v39;
	v40 =	vsel vm4, v44, v40  }
0x6a: {  	v39 =	vsel vm1, v43, v39;
	v41 =	vsel vm1, v41, v45;
	v44 =	vsel vm2, $0xF, v46  }
0x6b: {  	v43 =	vmov s25;
	v42 =	vsel vm4, v44, v42;
	vm1 =	vgt.f32 v39, v40  }
0x6c: {  	s29 =	sshra.s32 s23, $0x2;
	s23 =	smov.u32 s28;
	v39 =	vsel vm1, v39, v40;
	v40 =	vsel vm1, v41, v42  }
0x6d: {  	v41 =	vperm.xlane v40, v36;
	[tilespmem:s29+$0x8600] =	vst v39;
	v39 =	vperm.xlane v40, v35;
	_ =	sdelay $0x1  }
0x6e: {  	v41 =	vsel vm0, v37, v41;
	v37 =	vmov v39  }
0x6f: {  	vm2 =	veq.s32 v38, v31;
	v38 =	vmovc v43;
	vm1 =	vne.s32 v40, v41;
	v39 =	vmov s26  }
0x70: {  	vm1 =	vmor vm2, vm1;
	vm2 =	vne.s32 v40, $0x0;
	v39 =	vshll.u32 v39, $0x7  }
0x71: {  	vm1 =	vmand vm2, vm1;
	v39 =	vadd.s32 v34, v39  }
0x72: {  	v40 =	vnsel vm1, $0xFFFFFFFF, v40;
	v41 =	vor.u32 $0x1, v39;
	v42 =	vor.u32 $0x8, v39  }
0x73: {  	v43 =	vor.u32 $0x2, v39;
	v44 =	vor.u32 $0xA, v39;
	[tilespmem:s29+$0x8400] =	vst v40;
	v40 =	vsel vm1, $0x1, v29  }
0x74: {  	v45 =	vor.u32 $0x3, v39;
	v46 =	vor.u32 $0x11, v39;
	v47 =	vor.u32 $0x12, v39;
	[tilespmem:s29+$0x8500] =	vst v40  }
0x75: {  	v48 =	vor.u32 $0x17, v39;
	v49 =	vor.u32 $0x18, v39;
	v40 =	vor.u32 $0x4, v39  }
0x76: {  	v51 =	vor.u32 $0x5, v39;
	v52 =	vor.u32 $0x19, v39;
	v53 =	vor.u32 $0x1A, v39;
	v50 =	vld.idx.msk [tilespmem:v39+s3+$0x0], $0xffff  }
0x77: {  	v54 =	vor.u32 $0x9, v39;
	v55 =	vor.u32 $0x13, v39;
	v56 =	vor.u32 $0x1B, v39;
	v41 =	vld.idx.msk [tilespmem:v41+s3+$0x0], $0xffff  }
0x78: {  	v57 =	vor.u32 $0x6, v39;
	v58 =	vor.u32 $0xB, v39;
	v59 =	vor.u32 $0xC, v39;
	v43 =	vld.idx.msk [tilespmem:v43+s3+$0x0], $0xffff  }
0x79: {  	v60 =	vor.u32 $0xD, v39;
	v61 =	vor.u32 $0x14, v39;
	v62 =	vor.u32 $0x1C, v39;
	v47 =	vld.idx.msk [tilespmem:v47+s3+$0x0], $0xffff  }
0x7a: {  	v63 =	vor.u32 $0x7, v39;
	v1 =	vor.u32 $0xE, v39;
	v2 =	vor.u32 $0x15, v39;
	v49 =	vld.idx.msk [tilespmem:v49+s3+$0x0], $0xffff  }
0x7b: {  	v3 =	vor.u32 $0xF, v39;
	v4 =	vor.u32 $0x16, v39;
	v52 =	vld.idx.msk [tilespmem:v52+s3+$0x0], $0xffff  }
0x7c: {  	v39 =	vor.u32 $0x10, v39;
	v51 =	vld.idx.msk [tilespmem:v51+s3+$0x0], $0xffff  }
0x7d: {  	v53 =	vld.idx.msk [tilespmem:v53+s3+$0x0], $0xffff  }
0x7e: {  	vm1 =	vgt.f32 v41, v50;
	v48 =	vld.idx.msk [tilespmem:v48+s3+$0x0], $0xffff  }
0x7f: {  	v41 =	vsel vm1, v41, v50;
	v40 =	vld.idx.msk [tilespmem:v40+s3+$0x0], $0xffff  }
0x80: {  	vm2 =	vgt.f32 v43, v41;
	v45 =	vld.idx.msk [tilespmem:v45+s3+$0x0], $0xffff  }
0x81: {  	v41 =	vsel vm2, v43, v41;
	v39 =	vld.idx.msk [tilespmem:v39+s3+$0x0], $0xffff  }
0x82: {  	v43 =	vld.idx.msk [tilespmem:v46+s3+$0x0], $0xffff  }
0x83: {  	v46 =	vld.idx.msk [tilespmem:v54+s3+$0x0], $0xffff  }
0x84: {  	vm3 =	vgt.f32 v49, v48;
	v42 =	vld.idx.msk [tilespmem:v42+s3+$0x0], $0xffff  }
0x85: {  	v50 =	vsel vm1, $0x1, v29;
	v48 =	vsel vm3, v49, v48;
	v49 =	vsel vm3, $0x18, v33;
	v54 =	vld.idx.msk [tilespmem:v55+s3+$0x0], $0xffff  }
0x86: {  	v50 =	vsel vm2, $0x2, v50;
	vm1 =	vgt.f32 v45, v41;
	vm2 =	vgt.f32 v52, v48;
	v44 =	vld.idx.msk [tilespmem:v44+s3+$0x0], $0xffff  }
0x87: {  	v41 =	vsel vm1, v45, v41;
	v45 =	vsel vm1, $0x3, v50;
	v48 =	vsel vm2, v52, v48;
	v50 =	vld.idx.msk [tilespmem:v56+s3+$0x0], $0xffff  }
0x88: {  	vm1 =	vgt.f32 v40, v41;
	vm3 =	vgt.f32 v43, v39;
	vm4 =	vgt.f32 v53, v48;
	v52 =	vld.idx.msk [tilespmem:v58+s3+$0x0], $0xffff  }
0x89: {  	v55 =	vsel vm1, $0x4, v45;
	v39 =	vsel vm3, v43, v39;
	v43 =	vsel vm2, $0x19, v49;
	v56 =	vld.idx.msk [tilespmem:v59+s3+$0x0], $0xffff  }
0x8a: {  	v40 =	vsel vm1, v40, v41;
	v48 =	vsel vm4, v53, v48;
	vm1 =	vgt.f32 v46, v42;
	v49 =	vld.idx.msk [tilespmem:v57+s3+$0x0], $0xffff  }
0x8b: {  	vm2 =	vgt.f32 v47, v39;
	v41 =	vsel vm4, $0x1A, v43;
	v42 =	vsel vm1, v46, v42;
	v53 =	vld.idx.msk [tilespmem:v61+s3+$0x0], $0xffff  }
0x8c: {  	v45 =	vsel vm3, $0x11, v32;
	v43 =	vsel vm1, $0x9, v30;
	vm7 =	vgt.f32 v44, v42;
	v46 =	vld.idx.msk [tilespmem:v60+s3+$0x0], $0xffff  }
0x8d: {  	v57 =	vsel vm2, $0x12, v45;
	v42 =	vsel vm7, v44, v42;
	vm3 =	vgt.f32 v50, v48;
	v58 =	vld.idx.msk [tilespmem:v62+s3+$0x0], $0xffff  }
0x8e: {  	vm6 =	vgt.f32 v51, v40;
	v44 =	vsel vm2, v47, v39;
	vm1 =	vgt.f32 v52, v42;
	v39 =	vld.idx.msk [tilespmem:v2+s3+$0x0], $0xffff  }
0x8f: {  	vm8 =	vgt.f32 v54, v44;
	v2 =	vsel vm6, v51, v40;
	v40 =	vsel vm1, v52, v42;
	v45 =	vld.idx.msk [tilespmem:v1+s3+$0x0], $0xffff  }
0x90: {  	vm5 =	vgt.f32 v49, v2;
	vm2 =	vgt.f32 v56, v40;
	v1 =	vsel vm8, v54, v44  }
.Ltmp0:
0x91: {  	v47 =	vsel vm2, v56, v40;
	vm10 =	vgt.f32 v53, v1;
	v42 =	vld.idx.msk [tilespmem:v4+s3+$0x0], $0xffff;
	v4 =	vsel vm3, v50, v48;
	(pc) =	sbr.rel @p0 .LBB2_2-.Ltmp0, $4  }
0x92: {  	v40 =	vsel vm5, v49, v2;
	v2 =	vsel vm8, $0x13, v57;
	vm4 =	vgt.f32 v46, v47;
	v44 =	vld.idx.msk [tilespmem:v63+s3+$0x0], $0xffff  }
0x93: {  	v49 =	vsel vm7, $0xA, v43;
	v48 =	vsel vm4, v46, v47;
	vm9 =	vgt.f32 v58, v4;
	v46 =	vld.idx.msk [tilespmem:v3+s3+$0x0], $0xffff  }
0x94: {  	v50 =	vsel vm10, $0x14, v2;
	v47 =	vsel vm10, v53, v1;
	v43 =	vsel vm9, v58, v4  }
0x95: {  	v51 =	vsel vm6, $0x5, v55;
	vm7 =	vgt.f32 v39, v47;
	vm6 =	vgt.f32 v45, v48  }
0x96: {  	v1 =	vsel vm5, $0x6, v51;
	v2 =	vsel vm6, v45, v48  }
0x97: {  	v3 =	vsel vm3, $0x1B, v41;
	v4 =	vsel vm1, $0xB, v49;
	v55 =	vsel vm7, $0x15, v50  }
0x98: {  	v39 =	vsel vm7, v39, v47;
	v3 =	vsel vm9, $0x1C, v3;
	v4 =	vsel vm2, $0xC, v4  }
0x99: {  	vm1 =	vgt.f32 v44, v40;
	vm3 =	vgt.f32 v42, v39;
	v4 =	vsel vm4, $0xD, v4  }
0x9a: {  	vm2 =	vgt.f32 v46, v2;
	v40 =	vsel vm1, v44, v40;
	v41 =	vsel vm3, $0x16, v55  }
0x9b: {  	v39 =	vsel vm3, v42, v39;
	v1 =	vsel vm1, $0x7, v1;
	v2 =	vsel vm2, v46, v2  }
0x9c: {  	v4 =	vsel vm6, $0xE, v4;
	vm1 =	vgt.f32 v43, v39;
	vm3 =	vgt.f32 v2, v40  }
0x9d: {  	v4 =	vsel vm2, $0xF, v4;
	v39 =	vsel vm1, v43, v39;
	v2 =	vsel vm3, v2, v40  }
0x9e: {  	v3 =	vsel vm1, v3, v41;
	v1 =	vsel vm3, v4, v1;
	vm1 =	vgt.f32 v39, v2  }
0x9f: {  	v1 =	vsel vm1, v3, v1  }
0xa0: {  	v3 =	vperm.xlane v1, v36;
	_ =	sdelay $0x1  }
0xa1: {  	v3 =	vsel vm0, v37, v3  }
0xa2: {  	vm3 =	veq.s32 v38, v31;
	vm2 =	vne.s32 v1, v3  }
0xa3: {  	vm2 =	vmor vm3, vm2;
	vm3 =	vne.s32 v1, $0x0  }
0xa4: {  	s23 =	sshra.s32 s23, $0x2;
	v2 =	vsel vm1, v39, v2;
	v3 =	vmov s12;
	vm1 =	vmand vm3, vm2  }
0xa5: {  	[tilespmem:s23+$0x8600] =	vst v2;
	v3 =	vshll.u32 v3, $0x7;
	v2 =	vnsel vm1, $0xFFFFFFFF, v1  }
0xa6: {  	v3 =	vadd.s32 v34, v3;
	[tilespmem:s23+$0x8400] =	vst v2;
	v2 =	vsel vm1, $0x1, v29  }
0xa7: {  	v4 =	vor.u32 $0x2, v3;
	[tilespmem:s23+$0x8500] =	vst v2  }
0xa8: {  	v56 =	vor.u32 $0x12, v3;
	_ =	swait.ge [sflag:s15], $0x4000  }
0xa9: {  	v57 =	vor.u32 $0x18, v3;
	[sflag:s15] =	ssyncset.done $0x0  }
0xaa: {  	v58 =	vor.u32 $0x19, v3;
	[sflag:s15] =	ssyncadd.s32 $0xFFFFC000  }
0xab: {  	v61 =	vor.u32 $0x17, v3;
	v39 =	vld.idx.msk [tilespmem:v3+s3+$0x0], $0xffff  }
0xac: {  	v2 =	vor.u32 $0x1, v3;
	v4 =	vld.idx.msk [tilespmem:v4+s3+$0x0], $0xffff  }
0xad: {  	v59 =	vor.u32 $0x5, v3;
	v44 =	vld.idx.msk [tilespmem:v56+s3+$0x0], $0xffff  }
0xae: {  	v60 =	vor.u32 $0x1A, v3;
	v46 =	vld.idx.msk [tilespmem:v57+s3+$0x0], $0xffff  }
0xaf: {  	v62 =	vor.u32 $0x4, v3;
	v40 =	vld.idx.msk [tilespmem:v58+s3+$0x0], $0xffff  }
0xb0: {  	v37 =	vperm.xlane v1, v35;
	v1 =	vor.u32 $0x3, v3;
	v43 =	vld.idx.msk [tilespmem:v61+s3+$0x0], $0xffff  }
0xb1: {  	v38 =	vmov s11;
	v47 =	vor.u32 $0x8, v3;
	v50 =	vor.u32 $0x11, v3;
	v2 =	vld.idx.msk [tilespmem:v2+s3+$0x0], $0xffff  }
0xb2: {  	v48 =	vor.u32 $0x10, v3;
	v49 =	vor.u32 $0xA, v3;
	v51 =	vor.u32 $0x9, v3;
	v41 =	vld.idx.msk [tilespmem:v59+s3+$0x0], $0xffff  }
0xb3: {  	v52 =	vor.u32 $0x13, v3;
	v53 =	vor.u32 $0x1B, v3;
	v54 =	vor.u32 $0x6, v3;
	v42 =	vld.idx.msk [tilespmem:v60+s3+$0x0], $0xffff  }
0xb4: {  	v55 =	vor.u32 $0xB, v3;
	v56 =	vor.u32 $0xC, v3;
	v57 =	vor.u32 $0xD, v3;
	v45 =	vld.idx.msk [tilespmem:v62+s3+$0x0], $0xffff  }
0xb5: {  	v58 =	vor.u32 $0x14, v3;
	v59 =	vor.u32 $0x1C, v3;
	v1 =	vld.idx.msk [tilespmem:v1+s3+$0x0], $0xffff;
	v60 =	vor.u32 $0x7, v3  }
0xb6: {  	v61 =	vor.u32 $0xE, v3;
	v50 =	vld.idx.msk [tilespmem:v50+s3+$0x0], $0xffff;
	vm3 =	vgt.f32 v46, v43;
	vm1 =	vgt.f32 v2, v39  }
0xb7: {  	v62 =	vor.u32 $0xF, v3;
	v43 =	vsel vm3, v46, v43;
	v2 =	vsel vm1, v2, v39;
	v39 =	vld.idx.msk [tilespmem:v48+s3+$0x0], $0xffff  }
0xb8: {  	v47 =	vld.idx.msk [tilespmem:v47+s3+$0x0], $0xffff;
	v63 =	vsel vm3, $0x18, v33;
	v48 =	vor.u32 $0x15, v3;
	vm2 =	vgt.f32 v4, v2  }
0xb9: {  	v3 =	vor.u32 $0x16, v3;
	v2 =	vsel vm2, v4, v2;
	v4 =	vld.idx.msk [tilespmem:v51+s3+$0x0], $0xffff;
	v51 =	vsel vm1, $0x1, v29  }
0xba: {  	v52 =	vld.idx.msk [tilespmem:v52+s3+$0x0], $0xffff;
	v51 =	vsel vm2, $0x2, v51;
	vm1 =	vgt.f32 v1, v2;
	vm2 =	vgt.f32 v40, v43  }
0xbb: {  	v49 =	vld.idx.msk [tilespmem:v49+s3+$0x0], $0xffff;
	v1 =	vsel vm1, v1, v2;
	v2 =	vsel vm1, $0x3, v51;
	v40 =	vsel vm2, v40, v43  }
0xbc: {  	v43 =	vld.idx.msk [tilespmem:v53+s3+$0x0], $0xffff;
	v63 =	vsel vm2, $0x19, v63;
	vm1 =	vgt.f32 v45, v1;
	vm3 =	vgt.f32 v50, v39  }
0xbd: {  	v51 =	vld.idx.msk [tilespmem:v55+s3+$0x0], $0xffff;
	vm4 =	vgt.f32 v42, v40;
	v2 =	vsel vm1, $0x4, v2;
	v50 =	vsel vm3, v50, v39  }
0xbe: {  	v53 =	vld.idx.msk [tilespmem:v54+s3+$0x0], $0xffff;
	v1 =	vsel vm1, v45, v1;
	v42 =	vsel vm4, v42, v40;
	v39 =	vsel vm4, $0x1A, v63  }
0xbf: {  	v46 =	vld.idx.msk [tilespmem:v56+s3+$0x0], $0xffff;
	vm1 =	vgt.f32 v4, v47;
	vm5 =	vgt.f32 v44, v50;
	vm8 =	vgt.f32 v41, v1  }
0xc0: {  	v4 =	vsel vm1, v4, v47;
	v47 =	vld.idx.msk [tilespmem:v58+s3+$0x0], $0xffff;
	v54 =	vsel vm1, $0x9, v30;
	v58 =	vsel vm3, $0x11, v32  }
0xc1: {  	v63 =	vld.idx.msk [tilespmem:v59+s3+$0x0], $0xffff;
	v44 =	vsel vm5, v44, v50;
	v1 =	vsel vm8, v41, v1;
	vm6 =	vgt.f32 v49, v4  }
0xc2: {  	v55 =	vld.idx.msk [tilespmem:v57+s3+$0x0], $0xffff;
	vm1 =	vgt.f32 v43, v42;
	vm7 =	vgt.f32 v52, v44;
	v4 =	vsel vm6, v49, v4  }
0xc3: {  	v40 =	vld.idx.msk [tilespmem:v48+s3+$0x0], $0xffff;
	v49 =	vsel vm5, $0x12, v58;
	vm5 =	vgt.f32 v53, v1;
	vm2 =	vgt.f32 v51, v4  }
0xc4: {  	v45 =	vld.idx.msk [tilespmem:v61+s3+$0x0], $0xffff;
	v50 =	vsel vm7, v52, v44;
	v42 =	vsel vm1, v43, v42;
	v4 =	vsel vm2, v51, v4  }
0xc5: {  	v48 =	vsel vm6, $0xA, v54;
	v43 =	vsel vm5, v53, v1;
	vm3 =	vgt.f32 v46, v4  }
0xc6: {  	v41 =	vld.idx.msk [tilespmem:v3+s3+$0x0], $0xffff;
	v1 =	vsel vm7, $0x13, v49;
	vm7 =	vgt.f32 v63, v42;
	v4 =	vsel vm3, v46, v4  }
0xc7: {  	v44 =	vld.idx.msk [tilespmem:v60+s3+$0x0], $0xffff;
	v42 =	vsel vm7, v63, v42;
	vm9 =	vgt.f32 v47, v50;
	vm4 =	vgt.f32 v55, v4  }
0xc8: {  	s24 =	simm.s32 $0x40;
	v51 =	vsel vm8, $0x5, v2;
	v47 =	vsel vm9, v47, v50;
	v46 =	vld.idx.msk [tilespmem:v62+s3+$0x0], $0xffff;
	v49 =	vsel vm4, v55, v4  }
0xc9: {  	s25 =	smov.u32 s11;
	s26 =	smov.u32 s12;
	s23 =	simm.s32 $0x0;
	v50 =	vsel vm9, $0x14, v1;
	vm8 =	vgt.f32 v40, v47;
	vm6 =	vgt.f32 v45, v49  }
.LBB2_4:
0xca: {  	p0 =	sne.s32 s24, $0x1C0;
	v1 =	vsel vm5, $0x6, v51;
	v2 =	vsel vm6, v45, v49;
	v3 =	vsel vm1, $0x1B, v39;
	s25 =	sadd.s32 $0x10, s25;
	s26 =	sadd.s32 $0x10, s26  }
0xcb: {  	v4 =	vsel vm2, $0xB, v48;
	v39 =	vsel vm8, $0x15, v50;
	s28 =	smov.u32 s24;
	s24 =	sadd.s32 $0x40, s24;
	v3 =	vsel vm7, $0x1C, v3  }
0xcc: {  	v40 =	vsel vm8, v40, v47;
	vm1 =	vgt.f32 v44, v43;
	v4 =	vsel vm3, $0xC, v4  }
0xcd: {  	vm3 =	vgt.f32 v41, v40;
	v4 =	vsel vm4, $0xD, v4;
	vm2 =	vgt.f32 v46, v2  }
0xce: {  	v43 =	vsel vm1, v44, v43;
	v39 =	vsel vm3, $0x16, v39;
	v2 =	vsel vm2, v46, v2  }
0xcf: {  	v40 =	vsel vm3, v41, v40;
	v4 =	vsel vm6, $0xE, v4;
	vm4 =	vgt.f32 v2, v43  }
0xd0: {  	v1 =	vsel vm1, $0x7, v1;
	vm1 =	vgt.f32 v42, v40;
	v2 =	vsel vm4, v2, v43  }
0xd1: {  	v4 =	vsel vm2, $0xF, v4;
	v40 =	vsel vm1, v42, v40;
	v3 =	vsel vm1, v3, v39  }
0xd2: {  	v39 =	vmov s25;
	v1 =	vsel vm4, v4, v1;
	vm1 =	vgt.f32 v40, v2  }
0xd3: {  	s29 =	sshra.s32 s23, $0x2;
	s23 =	smov.u32 s28;
	v2 =	vsel vm1, v40, v2;
	v1 =	vsel vm1, v3, v1  }
0xd4: {  	v3 =	vperm.xlane v1, v36;
	[tilespmem:s29+$0x8680] =	vst v2;
	v2 =	vperm.xlane v1, v35;
	_ =	sdelay $0x1  }
0xd5: {  	v3 =	vsel vm0, v37, v3;
	v37 =	vmov v2  }
0xd6: {  	vm2 =	veq.s32 v38, v31;
	v38 =	vmovc v39;
	vm1 =	vne.s32 v1, v3;
	v2 =	vmov s26  }
0xd7: {  	vm1 =	vmor vm2, vm1;
	vm2 =	vne.s32 v1, $0x0;
	v2 =	vshll.u32 v2, $0x7  }
0xd8: {  	vm1 =	vmand vm2, vm1;
	v2 =	vadd.s32 v34, v2  }
0xd9: {  	v1 =	vnsel vm1, $0xFFFFFFFF, v1;
	v3 =	vor.u32 $0x1, v2;
	v4 =	vor.u32 $0x8, v2  }
0xda: {  	v39 =	vor.u32 $0x2, v2;
	v40 =	vor.u32 $0xA, v2;
	[tilespmem:s29+$0x8480] =	vst v1;
	v1 =	vsel vm1, $0x1, v29  }
0xdb: {  	v41 =	vor.u32 $0x3, v2;
	v42 =	vor.u32 $0x11, v2;
	v43 =	vor.u32 $0x12, v2;
	[tilespmem:s29+$0x8580] =	vst v1  }
0xdc: {  	v44 =	vor.u32 $0x17, v2;
	v45 =	vor.u32 $0x18, v2;
	v1 =	vor.u32 $0x4, v2  }
0xdd: {  	v47 =	vor.u32 $0x5, v2;
	v48 =	vor.u32 $0x19, v2;
	v49 =	vor.u32 $0x1A, v2;
	v46 =	vld.idx.msk [tilespmem:v2+s3+$0x0], $0xffff  }
0xde: {  	v50 =	vor.u32 $0x9, v2;
	v51 =	vor.u32 $0x13, v2;
	v52 =	vor.u32 $0x1B, v2;
	v3 =	vld.idx.msk [tilespmem:v3+s3+$0x0], $0xffff  }
0xdf: {  	v53 =	vor.u32 $0x6, v2;
	v54 =	vor.u32 $0xB, v2;
	v55 =	vor.u32 $0xC, v2;
	v39 =	vld.idx.msk [tilespmem:v39+s3+$0x0], $0xffff  }
0xe0: {  	v56 =	vor.u32 $0xD, v2;
	v57 =	vor.u32 $0x14, v2;
	v58 =	vor.u32 $0x1C, v2;
	v43 =	vld.idx.msk [tilespmem:v43+s3+$0x0], $0xffff  }
0xe1: {  	v59 =	vor.u32 $0x7, v2;
	v60 =	vor.u32 $0xE, v2;
	v61 =	vor.u32 $0x15, v2;
	v45 =	vld.idx.msk [tilespmem:v45+s3+$0x0], $0xffff  }
0xe2: {  	v62 =	vor.u32 $0xF, v2;
	v63 =	vor.u32 $0x16, v2;
	v48 =	vld.idx.msk [tilespmem:v48+s3+$0x0], $0xffff  }
0xe3: {  	v2 =	vor.u32 $0x10, v2;
	v47 =	vld.idx.msk [tilespmem:v47+s3+$0x0], $0xffff  }
0xe4: {  	v49 =	vld.idx.msk [tilespmem:v49+s3+$0x0], $0xffff  }
0xe5: {  	vm1 =	vgt.f32 v3, v46;
	v44 =	vld.idx.msk [tilespmem:v44+s3+$0x0], $0xffff  }
0xe6: {  	v3 =	vsel vm1, v3, v46;
	v1 =	vld.idx.msk [tilespmem:v1+s3+$0x0], $0xffff  }
0xe7: {  	vm2 =	vgt.f32 v39, v3;
	v41 =	vld.idx.msk [tilespmem:v41+s3+$0x0], $0xffff  }
0xe8: {  	v3 =	vsel vm2, v39, v3;
	v2 =	vld.idx.msk [tilespmem:v2+s3+$0x0], $0xffff  }
0xe9: {  	v39 =	vld.idx.msk [tilespmem:v42+s3+$0x0], $0xffff  }
0xea: {  	v42 =	vld.idx.msk [tilespmem:v50+s3+$0x0], $0xffff  }
0xeb: {  	vm3 =	vgt.f32 v45, v44;
	v4 =	vld.idx.msk [tilespmem:v4+s3+$0x0], $0xffff  }
0xec: {  	v46 =	vsel vm1, $0x1, v29;
	v44 =	vsel vm3, v45, v44;
	v45 =	vsel vm3, $0x18, v33;
	v50 =	vld.idx.msk [tilespmem:v51+s3+$0x0], $0xffff  }
0xed: {  	v46 =	vsel vm2, $0x2, v46;
	vm1 =	vgt.f32 v41, v3;
	vm2 =	vgt.f32 v48, v44;
	v40 =	vld.idx.msk [tilespmem:v40+s3+$0x0], $0xffff  }
0xee: {  	v3 =	vsel vm1, v41, v3;
	v41 =	vsel vm1, $0x3, v46;
	v44 =	vsel vm2, v48, v44;
	v46 =	vld.idx.msk [tilespmem:v52+s3+$0x0], $0xffff  }
0xef: {  	vm1 =	vgt.f32 v1, v3;
	vm3 =	vgt.f32 v39, v2;
	vm4 =	vgt.f32 v49, v44;
	v48 =	vld.idx.msk [tilespmem:v54+s3+$0x0], $0xffff  }
0xf0: {  	v51 =	vsel vm1, $0x4, v41;
	v2 =	vsel vm3, v39, v2;
	v39 =	vsel vm2, $0x19, v45;
	v41 =	vld.idx.msk [tilespmem:v55+s3+$0x0], $0xffff  }
0xf1: {  	v1 =	vsel vm1, v1, v3;
	v44 =	vsel vm4, v49, v44;
	vm1 =	vgt.f32 v42, v4;
	v3 =	vld.idx.msk [tilespmem:v53+s3+$0x0], $0xffff  }
0xf2: {  	vm5 =	vgt.f32 v43, v2;
	v39 =	vsel vm4, $0x1A, v39;
	v4 =	vsel vm1, v42, v4;
	v42 =	vld.idx.msk [tilespmem:v57+s3+$0x0], $0xffff  }
0xf3: {  	v45 =	vsel vm3, $0x11, v32;
	v49 =	vsel vm1, $0x9, v30;
	vm7 =	vgt.f32 v40, v4;
	v52 =	vld.idx.msk [tilespmem:v56+s3+$0x0], $0xffff  }
0xf4: {  	v53 =	vsel vm5, $0x12, v45;
	v4 =	vsel vm7, v40, v4;
	vm1 =	vgt.f32 v46, v44;
	v54 =	vld.idx.msk [tilespmem:v58+s3+$0x0], $0xffff  }
0xf5: {  	vm6 =	vgt.f32 v47, v1;
	v2 =	vsel vm5, v43, v2;
	vm2 =	vgt.f32 v48, v4;
	v40 =	vld.idx.msk [tilespmem:v61+s3+$0x0], $0xffff  }
0xf6: {  	v1 =	vsel vm6, v47, v1;
	vm8 =	vgt.f32 v50, v2;
	v4 =	vsel vm2, v48, v4;
	v45 =	vld.idx.msk [tilespmem:v60+s3+$0x0], $0xffff  }
0xf7: {  	v2 =	vsel vm8, v50, v2;
	vm5 =	vgt.f32 v3, v1;
	vm3 =	vgt.f32 v41, v4  }
.Ltmp1:
0xf8: {  	v55 =	vsel vm1, v46, v44;
	v4 =	vsel vm3, v41, v4;
	vm9 =	vgt.f32 v42, v2;
	v41 =	vld.idx.msk [tilespmem:v63+s3+$0x0], $0xffff;
	(pc) =	sbr.rel @p0 .LBB2_4-.Ltmp1, $4  }
0xf9: {  	v43 =	vsel vm5, v3, v1;
	v1 =	vsel vm8, $0x13, v53;
	vm4 =	vgt.f32 v52, v4;
	v44 =	vld.idx.msk [tilespmem:v59+s3+$0x0], $0xffff  }
0xfa: {  	v48 =	vsel vm7, $0xA, v49;
	v49 =	vsel vm4, v52, v4;
	vm7 =	vgt.f32 v54, v55;
	v46 =	vld.idx.msk [tilespmem:v62+s3+$0x0], $0xffff  }
0xfb: {  	v47 =	vsel vm9, v42, v2;
	v50 =	vsel vm9, $0x14, v1;
	v42 =	vsel vm7, v54, v55  }
0xfc: {  	v51 =	vsel vm6, $0x5, v51;
	vm8 =	vgt.f32 v40, v47;
	vm6 =	vgt.f32 v45, v49  }
0xfd: {  	v1 =	vsel vm5, $0x6, v51;
	v2 =	vsel vm6, v45, v49  }
0xfe: {  	v3 =	vsel vm1, $0x1B, v39;
	v4 =	vsel vm2, $0xB, v48;
	v63 =	vsel vm8, $0x15, v50  }
0xff: {  	v40 =	vsel vm8, v40, v47;
	v3 =	vsel vm7, $0x1C, v3;
	v4 =	vsel vm3, $0xC, v4  }
0x100: {  	vm1 =	vgt.f32 v44, v43;
	vm3 =	vgt.f32 v41, v40;
	v4 =	vsel vm4, $0xD, v4  }
0x101: {  	vm2 =	vgt.f32 v46, v2;
	v43 =	vsel vm1, v44, v43;
	v39 =	vsel vm3, $0x16, v63  }
0x102: {  	v40 =	vsel vm3, v41, v40;
	v1 =	vsel vm1, $0x7, v1;
	v2 =	vsel vm2, v46, v2  }
0x103: {  	v4 =	vsel vm6, $0xE, v4;
	vm1 =	vgt.f32 v42, v40;
	vm3 =	vgt.f32 v2, v43  }
0x104: {  	v4 =	vsel vm2, $0xF, v4;
	v40 =	vsel vm1, v42, v40;
	v2 =	vsel vm3, v2, v43  }
0x105: {  	v3 =	vsel vm1, v3, v39;
	v1 =	vsel vm3, v4, v1;
	vm1 =	vgt.f32 v40, v2  }
0x106: {  	v1 =	vsel vm1, v3, v1  }
0x107: {  	v3 =	vperm.xlane v1, v36;
	_ =	sdelay $0x1  }
0x108: {  	v3 =	vsel vm0, v37, v3  }
0x109: {  	vm3 =	veq.s32 v38, v31;
	vm2 =	vne.s32 v1, v3  }
0x10a: {  	vm2 =	vmor vm3, vm2;
	vm3 =	vne.s32 v1, $0x0  }
0x10b: {  	s23 =	sshra.s32 s23, $0x2;
	v2 =	vsel vm1, v40, v2;
	vm1 =	vmand vm3, vm2  }
0x10c: {  	[tilespmem:s23+$0x8680] =	vst v2;
	v1 =	vnsel vm1, $0xFFFFFFFF, v1  }
0x10d: {  	[tilespmem:s23+$0x8480] =	vst v1;
	v1 =	vsel vm1, $0x1, v29  }
0x10e: {  	[tilespmem:s23+$0x8580] =	vst v1  }
0x10f: {  	[hbm4b:s6+s3] =	stream.linear.scatter [tilespmem:s16], [sflag:$0x3], $0x100, $0x38;
	[tilespmem:$0x8700] =	vst v63  }
0x110: {  	_ = 	snop  }
0x111: {  	[hbm4b:s7+s3] =	stream.linear.scatter [tilespmem:s17], [sflag:$0x4], $0x100, $0x38;
	[tilespmem:$0x8700] =	vst v63  }
0x112: {  	_ = 	snop  }
0x113: {  	[hbm4b:s8+s3] =	stream.linear.scatter [tilespmem:s18], [sflag:$0x5], $0x100, $0x38;
	[tilespmem:$0x8700] =	vst v63  }
0x114: {  	_ =	swait.ge [sflag:s19], $0x100  }
0x115: {  	[sflag:s19] =	ssyncset.done $0x0  }
0x116: {  	s22 =	sadd.s32 $0x1, s22;
	[sflag:s19] =	ssyncadd.s32 $0xFFFFFF00  }
0x117: {  	p0 =	sne.s32 s22, s9;
	_ =	swait.ge [sflag:s20], $0x100  }
.Ltmp2:
0x118: {  	[sflag:s20] =	ssyncset.done $0x0;
	(pc) =	sbr.rel @p0 .LBB2_1-.Ltmp2, $4  }
0x119: {  	[sflag:s20] =	ssyncadd.s32 $0xFFFFFF00  }
0x11a: {  	_ =	swait.ge [sflag:s21], $0x100  }
0x11b: {  	[sflag:s21] =	ssyncset.done $0x0  }
0x11c: {  	[sflag:s21] =	ssyncadd.s32 $0xFFFFFF00  }
0x11d: {  	_ =	sfence.sel $0x180000  }
0x11e: {  	[bflag:$0x0] =	sbarrier.arrive $0xFFFF  }
0x11f: {  	p0 =	sne.s32 s0, $0x0;
	_ =	strace $0x90000047  }
0x120: {  	s0 =	sadd.s32 @!p0 $0x100000, s2;
	[bflag:$0x2] =	sbarrier.arrive $0xFFFF  }
0x121: {  	[sflag:s0] =	ssyncadd.tile.s32 @!p0 $0x1;
	_ =	shalt  }
.Lfunc_end2:
_tile_overlayer_lowered:
.L_overlay_start_2:
0x122: {  	(tag) =	ssettag $0x2  }
0x123: {  	s0 =	rddreg [dreg:$0x0];
	s2 =	stileid.u32  }
0x124: {  	s1 =	rddreg [dreg:$0x1];
	p0 =	sne.s32 s2, $0x0  }
0x125: {  	s3 =	rddreg [dreg:$0x2];
	[bflag:$0x3] =	sbarrier.arrive $0xFFFF;
	s2 =	simm.s32 @!p0 $0x1C06  }
0x126: {  	[timem:s3], [sflag:s2] =	dma.local @!p0 [hbm:s0], s1  }
0x127: {  	s0 =	simm.s32 @!p0 $0x6  }
0x128: {  	_ =	swait.ge @!p0 [sflag:s0], s1  }
0x129: {  	s1 =	ssub.s32 @!p0 $0x0, s1;
	[sflag:s0] =	ssyncset.done @!p0 $0x0  }
0x12a: {  	[sflag:s0] =	ssyncadd.s32 @!p0 s1  }
0x12b: {  	[bflag:$0x3] =	sbarrier.arrive $0xFFFF  }
0x12c: {  	_ =	shalt  }

</sc_bundles>
